<compile_context>
chip_gen: v7x
topology: tpu7x:2x2x1
jax: 0.10.2.dev20260603
libtpu: 0.0.44.dev20260713+nightly
codegen_flags: <defaults>
</compile_context>

<pallas_src>
import functools

import jax
import jax.numpy as jnp
from jax import lax
from jax.experimental import pallas as pl
from jax.experimental.pallas import tpu as pltpu
from jax.experimental.pallas import tpu_sc as plsc

D = 2048
_NC, _NS = 2, 16
_NW = _NC * _NS
_CHUNK = 32


def _gather_body(table_hbm, idx_hbm, out_hbm, idx_v, rows_v, sem):
    rows_w = idx_hbm.shape[0] // _NW
    wid = lax.axis_index("s") * _NC + lax.axis_index("c")
    base = wid * rows_w
    pltpu.sync_copy(idx_hbm.at[pl.ds(base, rows_w)], idx_v)

    def chunk(c, carry):
        r0 = c * _CHUNK
        pltpu.async_copy(
            table_hbm.at[idx_v.at[pl.ds(r0, _CHUNK)]], rows_v, sem
        ).wait()
        pltpu.sync_copy(rows_v, out_hbm.at[pl.ds(base + r0, _CHUNK)])
        return carry

    lax.fori_loop(0, rows_w // _CHUNK, chunk, 0)


def _sc_gather(table, idx):
    n = idx.shape[0]
    rows_w = n // _NW
    mesh = plsc.VectorSubcoreMesh(core_axis_name="c", subcore_axis_name="s")
    return pl.kernel(
        _gather_body,
        out_type=jax.ShapeDtypeStruct((n, D), jnp.float32),
        mesh=mesh,
        scratch_types=[
            pltpu.VMEM((rows_w,), jnp.int32),
            pltpu.VMEM((_CHUNK, D), jnp.float32),
            pltpu.SemaphoreType.DMA,
        ],
    )(table, idx)


def _mm_body(x_ref, m_ref, w0_ref, w1_ref, o_ref):
    x = x_ref[...].astype(jnp.bfloat16)
    dn = (((1,), (1,)), ((), ()))
    y0 = lax.dot_general(x, w0_ref[...], dn, preferred_element_type=jnp.float32)
    y1 = lax.dot_general(x, w1_ref[...], dn, preferred_element_type=jnp.float32)
    o_ref[...] = jnp.where(m_ref[...] == 0, y0, y1)


def _mm_body_alias(x_ref, m_ref, w0_ref, w1_ref, _y_ref, o_ref):
    _mm_body(x_ref, m_ref, w0_ref, w1_ref, o_ref)


def _tc_matmul_select(x, m, w0, w1, n, k, y_prev, bn=256):
    ns = x.shape[0]
    base = k * (ns // bn)
    specs = [
        pl.BlockSpec((bn, D), lambda i: (i, 0)),
        pl.BlockSpec((bn, 1), lambda i: (i, 0)),
        pl.BlockSpec((D, D), lambda i: (0, 0)),
        pl.BlockSpec((D, D), lambda i: (0, 0)),
    ]
    args = [x, m, w0, w1]
    body = _mm_body
    aliases = {}
    if y_prev is not None:
        specs.append(pl.BlockSpec(memory_space=pl.ANY))
        args.append(y_prev)
        body = _mm_body_alias
        aliases = {4: 0}
    return pl.pallas_call(
        body,
        grid=(ns // bn,),
        in_specs=specs,
        out_specs=pl.BlockSpec((bn, D), lambda i: (base + i, 0)),
        out_shape=jax.ShapeDtypeStruct((n, D), jnp.float32),
        input_output_aliases=aliases,
    )(*args)


def kernel(input_ids, role_mask, table, W0, W1):
    b, l = input_ids.shape
    n = b * l
    idx = input_ids.reshape(n).astype(jnp.int32)
    m = role_mask.reshape(n, 1).astype(jnp.int32)
    w0b = W0.astype(jnp.bfloat16)
    w1b = W1.astype(jnp.bfloat16)
    s = 4
    ns = n // s
    y = None
    for k in range(s):
        xk = _sc_gather(table, lax.slice(idx, (k * ns,), ((k + 1) * ns,)))
        mk = lax.slice(m, (k * ns, 0), ((k + 1) * ns, 1))
        y = _tc_matmul_select(xk, mk, w0b, w1b, n, k, y)
    return y.reshape(b, l, D)

# --- scband reference (transcript-rebuilt; emitter-appended) ---
"""Pipeline reference for scband-role-sensitive-embedding-11785390260965 (READ-ONLY COPY).

The authoritative reference and input builder live on the scoring server;
editing this copy changes nothing except your own understanding.
"""

import jax, jax.numpy as jnp
import numpy as np

VOCAB = 100000
D_MODEL = 2048
PAD_IDX = 0
B, L = 4, 4096

def setup_inputs(seed: int = 0) -> dict:
    key = jax.random.key(seed)
    k1, k2, k3, k4, k5 = jax.random.split(key, 5)
    input_ids = jax.random.randint(k1, (B, L), 0, VOCAB, dtype=jnp.int64) if jax.config.jax_enable_x64 else jax.random.randint(k1, (B, L), 0, VOCAB, dtype=jnp.int32)
    role_mask = jax.random.randint(k2, (B, L), 0, 2, dtype=input_ids.dtype)
    table = jax.random.normal(k3, (VOCAB, D_MODEL), dtype=jnp.float32) * 0.02
    # padding_idx row is zeroed in torch nn.Embedding
    table = table.at[PAD_IDX].set(0.0)
    W0 = jax.random.normal(k4, (D_MODEL, D_MODEL), dtype=jnp.float32) * 0.02
    W1 = jax.random.normal(k5, (D_MODEL, D_MODEL), dtype=jnp.float32) * 0.02
    return {"input_ids": input_ids, "role_mask": role_mask, "table": table, "W0": W0, "W1": W1}

def reference(input_ids, role_mask, table, W0, W1):
    # embedding lookup
    x = jnp.take(table, input_ids, axis=0)  # (B, L, D)
    # role-specific linear transforms (nn.Linear: x @ W.T, no bias)
    y0 = jnp.einsum('bld,ed->ble', x, W0)
    y1 = jnp.einsum('bld,ed->ble', x, W1)
    # masked scatter-assign: role_mask==0 -> transformer 0, role_mask==1 -> transformer 1
    out = jnp.where((role_mask == 0)[..., None], y0, y1)
    return out

if __name__ == "__main__":
    import jax
    _d = setup_inputs()
    print(jax.jit(kernel)(*tuple(_d.values())))

</pallas_src>

<mosaic_0001>
#map = affine_map<(d0, d1) -> (0, 0)>
#map1 = affine_map<(d0, d1) -> (0)>
module attributes {stable_mosaic.version = 14 : i64} {
  func.func @_gather_body(%arg0: i32, %arg1: i32, %arg2: memref<100000x2048xf32, #tpu.memory_space<hbm>>, %arg3: memref<4096xi32, #tpu.memory_space<hbm>>, %arg4: memref<4096x2048xf32, #tpu.memory_space<hbm>>, %arg5: memref<128xi32, #tpu.memory_space<vmem>>, %arg6: memref<32x2048xf32, #tpu.memory_space<vmem>>, %arg7: memref<!tpu.dma_semaphore, #tpu.memory_space<semaphore_mem>>) attributes {dimension_semantics = [#tpu.dimension_semantics<core_parallel>, #tpu.dimension_semantics<subcore_parallel>], iteration_bounds = array<i64: 2, 16>, scalar_prefetch = 0 : i64, scratch_operands = 3 : i64, tpu.core_type = #tpu.core_type<sc_vector_subcore>, window_params = [{transform_indices = #map}, {transform_indices = #map1}, {transform_indices = #map}]} {
    %mul3A = arith.constant 2 : i32
    %mul3A_0 = arith.muli %arg1, %mul3A : i32
    %add3A = arith.addi %mul3A_0, %arg0 : i32
    %mul3A_1 = arith.constant 128 : i32
    %mul3A_2 = arith.muli %add3A, %mul3A_1 : i32
    "tpu.region"() ({
      %run_scoped3A = tpu.sem_alloc : memref<!tpu.dma_semaphore, #tpu.memory_space<semaphore_mem>>
      %dma_start3A = tpu.memref_slice %arg3[%mul3A_2] : memref<4096xi32, #tpu.memory_space<hbm>> -> memref<128xi32, #tpu.memory_space<hbm>>
      %dma_start3A_8 = tpu.memref_slice %arg3[%mul3A_2] : memref<4096xi32, #tpu.memory_space<hbm>> -> memref<128xi32, #tpu.memory_space<hbm>>
      tpu.enqueue_dma source(%dma_start3A_8 : memref<128xi32, #tpu.memory_space<hbm>>) target(%arg5 : memref<128xi32, #tpu.memory_space<vmem>>) target_semaphore(%run_scoped3A : memref<!tpu.dma_semaphore, #tpu.memory_space<semaphore_mem>>)
      %dma_wait3A = tpu.memref_slice %arg3[%mul3A_2] : memref<4096xi32, #tpu.memory_space<hbm>> -> memref<128xi32, #tpu.memory_space<hbm>>
      %dma_wait3A_9 = tpu.memref_slice %arg3[%mul3A_2] : memref<4096xi32, #tpu.memory_space<hbm>> -> memref<128xi32, #tpu.memory_space<hbm>>
      tpu.wait_dma2 semaphore(%run_scoped3A : memref<!tpu.dma_semaphore, #tpu.memory_space<semaphore_mem>>) src(%dma_wait3A_9 : memref<128xi32, #tpu.memory_space<hbm>>) dst(%arg5 : memref<128xi32, #tpu.memory_space<vmem>>)
      tpu.yield
    }) : () -> ()
    %scan3A = arith.constant 0 : i32
    %scan3A_3 = arith.constant 0 : i32
    %scan3A_4 = arith.constant 4 : i32
    %scan3A_5 = arith.addi %scan3A_3, %scan3A_4 : i32
    %scan3A_6 = arith.constant 1 : i32
    scf.for %scan3A_8 = %scan3A_3 to %scan3A_5 step %scan3A_6  : i32 {
      %mul3A_9 = arith.constant 32 : i32
      %mul3A_10 = arith.muli %scan3A_8, %mul3A_9 : i32
      %dma_start3A = tpu.memref_slice %arg5[%mul3A_10] : memref<128xi32, #tpu.memory_space<vmem>> -> memref<32xi32, #tpu.memory_space<vmem>>
      %dma_start3A_11 = arith.constant 0 : i32
      %dma_start3A_12 = arith.constant 0 : i32
      %dma_start3A_13 = tpu.memref_slice %arg2[%dma_start3A_11, %dma_start3A_12] : memref<100000x2048xf32, #tpu.memory_space<hbm>> -> memref<100000x2048xf32, #tpu.memory_space<hbm>>
      tpu.enqueue_indirect_dma source(%dma_start3A_13 : memref<100000x2048xf32, #tpu.memory_space<hbm>>) target(%arg6 : memref<32x2048xf32, #tpu.memory_space<vmem>>) offsets(%dma_start3A : memref<32xi32, #tpu.memory_space<vmem>>) semaphore(%arg7 : memref<!tpu.dma_semaphore, #tpu.memory_space<semaphore_mem>>)
      %dma_wait3A = tpu.memref_slice %arg5[%mul3A_10] : memref<128xi32, #tpu.memory_space<vmem>> -> memref<32xi32, #tpu.memory_space<vmem>>
      %dma_wait3A_14 = arith.constant 0 : i32
      %dma_wait3A_15 = arith.constant 0 : i32
      %dma_wait3A_16 = tpu.memref_slice %arg2[%dma_wait3A_14, %dma_wait3A_15] : memref<100000x2048xf32, #tpu.memory_space<hbm>> -> memref<100000x2048xf32, #tpu.memory_space<hbm>>
      tpu.wait_indirect_dma semaphore(%arg7 : memref<!tpu.dma_semaphore, #tpu.memory_space<semaphore_mem>>) src(%dma_wait3A_16 : memref<100000x2048xf32, #tpu.memory_space<hbm>>) dst(%arg6 : memref<32x2048xf32, #tpu.memory_space<vmem>>)
      %add3A_17 = arith.addi %mul3A_2, %mul3A_10 : i32
      "tpu.region"() ({
        %run_scoped3A = tpu.sem_alloc : memref<!tpu.dma_semaphore, #tpu.memory_space<semaphore_mem>>
        %dma_start3A_18 = arith.constant 0 : i32
        %dma_start3A_19 = tpu.memref_slice %arg4[%add3A_17, %dma_start3A_18] : memref<4096x2048xf32, #tpu.memory_space<hbm>> -> memref<32x2048xf32, #tpu.memory_space<hbm>>
        %dma_start3A_20 = arith.constant 0 : i32
        %dma_start3A_21 = tpu.memref_slice %arg4[%add3A_17, %dma_start3A_20] : memref<4096x2048xf32, #tpu.memory_space<hbm>> -> memref<32x2048xf32, #tpu.memory_space<hbm>>
        tpu.enqueue_dma source(%arg6 : memref<32x2048xf32, #tpu.memory_space<vmem>>) target(%dma_start3A_21 : memref<32x2048xf32, #tpu.memory_space<hbm>>) target_semaphore(%run_scoped3A : memref<!tpu.dma_semaphore, #tpu.memory_space<semaphore_mem>>)
        %dma_wait3A_22 = arith.constant 0 : i32
        %dma_wait3A_23 = tpu.memref_slice %arg4[%add3A_17, %dma_wait3A_22] : memref<4096x2048xf32, #tpu.memory_space<hbm>> -> memref<32x2048xf32, #tpu.memory_space<hbm>>
        %dma_wait3A_24 = arith.constant 0 : i32
        %dma_wait3A_25 = tpu.memref_slice %arg4[%add3A_17, %dma_wait3A_24] : memref<4096x2048xf32, #tpu.memory_space<hbm>> -> memref<32x2048xf32, #tpu.memory_space<hbm>>
        tpu.wait_dma2 semaphore(%run_scoped3A : memref<!tpu.dma_semaphore, #tpu.memory_space<semaphore_mem>>) src(%arg6 : memref<32x2048xf32, #tpu.memory_space<vmem>>) dst(%dma_wait3A_25 : memref<32x2048xf32, #tpu.memory_space<hbm>>)
        tpu.yield
      }) : () -> ()
    }
    %scan3A_7 = arith.constant 4 : i32
    return
  }
}

#map = affine_map<(d0, d1) -> (0, 0)>
#map1 = affine_map<(d0, d1) -> (0)>
module attributes {stable_mosaic.version = 14 : i64} {
  func.func @_gather_body(%arg0: i32, %arg1: i32, %arg2: memref<100000x2048xf32, #tpu.memory_space<hbm>>, %arg3: memref<4096xi32, #tpu.memory_space<hbm>>, %arg4: memref<4096x2048xf32, #tpu.memory_space<hbm>>, %arg5: memref<128xi32, #tpu.memory_space<vmem>>, %arg6: memref<32x2048xf32, #tpu.memory_space<vmem>>, %arg7: memref<!tpu.dma_semaphore, #tpu.memory_space<semaphore_mem>>) attributes {dimension_semantics = [#tpu.dimension_semantics<core_parallel>, #tpu.dimension_semantics<subcore_parallel>], iteration_bounds = array<i64: 2, 16>, scalar_prefetch = 0 : i64, scratch_operands = 3 : i64, tpu.core_type = #tpu.core_type<sc_vector_subcore>, window_params = [{transform_indices = #map}, {transform_indices = #map1}, {transform_indices = #map}]} {
    %mul3A = arith.constant 2 : i32
    %mul3A_0 = arith.muli %arg1, %mul3A : i32
    %add3A = arith.addi %mul3A_0, %arg0 : i32
    %mul3A_1 = arith.constant 128 : i32
    %mul3A_2 = arith.muli %add3A, %mul3A_1 : i32
    "tpu.region"() ({
      %run_scoped3A = tpu.sem_alloc : memref<!tpu.dma_semaphore, #tpu.memory_space<semaphore_mem>>
      %dma_start3A = tpu.memref_slice %arg3[%mul3A_2] : memref<4096xi32, #tpu.memory_space<hbm>> -> memref<128xi32, #tpu.memory_space<hbm>>
      %dma_start3A_8 = tpu.memref_slice %arg3[%mul3A_2] : memref<4096xi32, #tpu.memory_space<hbm>> -> memref<128xi32, #tpu.memory_space<hbm>>
      tpu.enqueue_dma source(%dma_start3A_8 : memref<128xi32, #tpu.memory_space<hbm>>) target(%arg5 : memref<128xi32, #tpu.memory_space<vmem>>) target_semaphore(%run_scoped3A : memref<!tpu.dma_semaphore, #tpu.memory_space<semaphore_mem>>)
      %dma_wait3A = tpu.memref_slice %arg3[%mul3A_2] : memref<4096xi32, #tpu.memory_space<hbm>> -> memref<128xi32, #tpu.memory_space<hbm>>
      %dma_wait3A_9 = tpu.memref_slice %arg3[%mul3A_2] : memref<4096xi32, #tpu.memory_space<hbm>> -> memref<128xi32, #tpu.memory_space<hbm>>
      tpu.wait_dma2 semaphore(%run_scoped3A : memref<!tpu.dma_semaphore, #tpu.memory_space<semaphore_mem>>) src(%dma_wait3A_9 : memref<128xi32, #tpu.memory_space<hbm>>) dst(%arg5 : memref<128xi32, #tpu.memory_space<vmem>>)
      tpu.yield
    }) : () -> ()
    %scan3A = arith.constant 0 : i32
    %scan3A_3 = arith.constant 0 : i32
    %scan3A_4 = arith.constant 4 : i32
    %scan3A_5 = arith.addi %scan3A_3, %scan3A_4 : i32
    %scan3A_6 = arith.constant 1 : i32
    scf.for %scan3A_8 = %scan3A_3 to %scan3A_5 step %scan3A_6  : i32 {
      %mul3A_9 = arith.constant 32 : i32
      %mul3A_10 = arith.muli %scan3A_8, %mul3A_9 : i32
      %dma_start3A = tpu.memref_slice %arg5[%mul3A_10] : memref<128xi32, #tpu.memory_space<vmem>> -> memref<32xi32, #tpu.memory_space<vmem>>
      %dma_start3A_11 = arith.constant 0 : i32
      %dma_start3A_12 = arith.constant 0 : i32
      %dma_start3A_13 = tpu.memref_slice %arg2[%dma_start3A_11, %dma_start3A_12] : memref<100000x2048xf32, #tpu.memory_space<hbm>> -> memref<100000x2048xf32, #tpu.memory_space<hbm>>
      tpu.enqueue_indirect_dma source(%dma_start3A_13 : memref<100000x2048xf32, #tpu.memory_space<hbm>>) target(%arg6 : memref<32x2048xf32, #tpu.memory_space<vmem>>) offsets(%dma_start3A : memref<32xi32, #tpu.memory_space<vmem>>) semaphore(%arg7 : memref<!tpu.dma_semaphore, #tpu.memory_space<semaphore_mem>>)
      %dma_wait3A = tpu.memref_slice %arg5[%mul3A_10] : memref<128xi32, #tpu.memory_space<vmem>> -> memref<32xi32, #tpu.memory_space<vmem>>
      %dma_wait3A_14 = arith.constant 0 : i32
      %dma_wait3A_15 = arith.constant 0 : i32
      %dma_wait3A_16 = tpu.memref_slice %arg2[%dma_wait3A_14, %dma_wait3A_15] : memref<100000x2048xf32, #tpu.memory_space<hbm>> -> memref<100000x2048xf32, #tpu.memory_space<hbm>>
      tpu.wait_indirect_dma semaphore(%arg7 : memref<!tpu.dma_semaphore, #tpu.memory_space<semaphore_mem>>) src(%dma_wait3A_16 : memref<100000x2048xf32, #tpu.memory_space<hbm>>) dst(%arg6 : memref<32x2048xf32, #tpu.memory_space<vmem>>)
      %add3A_17 = arith.addi %mul3A_2, %mul3A_10 : i32
      "tpu.region"() ({
        %run_scoped3A = tpu.sem_alloc : memref<!tpu.dma_semaphore, #tpu.memory_space<semaphore_mem>>
        %dma_start3A_18 = arith.constant 0 : i32
        %dma_start3A_19 = tpu.memref_slice %arg4[%add3A_17, %dma_start3A_18] : memref<4096x2048xf32, #tpu.memory_space<hbm>> -> memref<32x2048xf32, #tpu.memory_space<hbm>>
        %dma_start3A_20 = arith.constant 0 : i32
        %dma_start3A_21 = tpu.memref_slice %arg4[%add3A_17, %dma_start3A_20] : memref<4096x2048xf32, #tpu.memory_space<hbm>> -> memref<32x2048xf32, #tpu.memory_space<hbm>>
        tpu.enqueue_dma source(%arg6 : memref<32x2048xf32, #tpu.memory_space<vmem>>) target(%dma_start3A_21 : memref<32x2048xf32, #tpu.memory_space<hbm>>) target_semaphore(%run_scoped3A : memref<!tpu.dma_semaphore, #tpu.memory_space<semaphore_mem>>)
        %dma_wait3A_22 = arith.constant 0 : i32
        %dma_wait3A_23 = tpu.memref_slice %arg4[%add3A_17, %dma_wait3A_22] : memref<4096x2048xf32, #tpu.memory_space<hbm>> -> memref<32x2048xf32, #tpu.memory_space<hbm>>
        %dma_wait3A_24 = arith.constant 0 : i32
        %dma_wait3A_25 = tpu.memref_slice %arg4[%add3A_17, %dma_wait3A_24] : memref<4096x2048xf32, #tpu.memory_space<hbm>> -> memref<32x2048xf32, #tpu.memory_space<hbm>>
        tpu.wait_dma2 semaphore(%run_scoped3A : memref<!tpu.dma_semaphore, #tpu.memory_space<semaphore_mem>>) src(%arg6 : memref<32x2048xf32, #tpu.memory_space<vmem>>) dst(%dma_wait3A_25 : memref<32x2048xf32, #tpu.memory_space<hbm>>)
        tpu.yield
      }) : () -> ()
    }
    %scan3A_7 = arith.constant 4 : i32
    return
  }
}

#map = affine_map<(d0, d1) -> (0, 0)>
#map1 = affine_map<(d0, d1) -> (0)>
module attributes {stable_mosaic.version = 14 : i64} {
  func.func @_gather_body(%arg0: i32, %arg1: i32, %arg2: memref<100000x2048xf32, #tpu.memory_space<hbm>>, %arg3: memref<4096xi32, #tpu.memory_space<hbm>>, %arg4: memref<4096x2048xf32, #tpu.memory_space<hbm>>, %arg5: memref<128xi32, #tpu.memory_space<vmem>>, %arg6: memref<32x2048xf32, #tpu.memory_space<vmem>>, %arg7: memref<!tpu.dma_semaphore, #tpu.memory_space<semaphore_mem>>) attributes {dimension_semantics = [#tpu.dimension_semantics<core_parallel>, #tpu.dimension_semantics<subcore_parallel>], iteration_bounds = array<i64: 2, 16>, scalar_prefetch = 0 : i64, scratch_operands = 3 : i64, tpu.core_type = #tpu.core_type<sc_vector_subcore>, window_params = [{transform_indices = #map}, {transform_indices = #map1}, {transform_indices = #map}]} {
    %mul3A = arith.constant 2 : i32
    %mul3A_0 = arith.muli %arg1, %mul3A : i32
    %add3A = arith.addi %mul3A_0, %arg0 : i32
    %mul3A_1 = arith.constant 128 : i32
    %mul3A_2 = arith.muli %add3A, %mul3A_1 : i32
    "tpu.region"() ({
      %run_scoped3A = tpu.sem_alloc : memref<!tpu.dma_semaphore, #tpu.memory_space<semaphore_mem>>
      %dma_start3A = tpu.memref_slice %arg3[%mul3A_2] : memref<4096xi32, #tpu.memory_space<hbm>> -> memref<128xi32, #tpu.memory_space<hbm>>
      %dma_start3A_8 = tpu.memref_slice %arg3[%mul3A_2] : memref<4096xi32, #tpu.memory_space<hbm>> -> memref<128xi32, #tpu.memory_space<hbm>>
      tpu.enqueue_dma source(%dma_start3A_8 : memref<128xi32, #tpu.memory_space<hbm>>) target(%arg5 : memref<128xi32, #tpu.memory_space<vmem>>) target_semaphore(%run_scoped3A : memref<!tpu.dma_semaphore, #tpu.memory_space<semaphore_mem>>)
      %dma_wait3A = tpu.memref_slice %arg3[%mul3A_2] : memref<4096xi32, #tpu.memory_space<hbm>> -> memref<128xi32, #tpu.memory_space<hbm>>
      %dma_wait3A_9 = tpu.memref_slice %arg3[%mul3A_2] : memref<4096xi32, #tpu.memory_space<hbm>> -> memref<128xi32, #tpu.memory_space<hbm>>
      tpu.wait_dma2 semaphore(%run_scoped3A : memref<!tpu.dma_semaphore, #tpu.memory_space<semaphore_mem>>) src(%dma_wait3A_9 : memref<128xi32, #tpu.memory_space<hbm>>) dst(%arg5 : memref<128xi32, #tpu.memory_space<vmem>>)
      tpu.yield
    }) : () -> ()
    %scan3A = arith.constant 0 : i32
    %scan3A_3 = arith.constant 0 : i32
    %scan3A_4 = arith.constant 4 : i32
    %scan3A_5 = arith.addi %scan3A_3, %scan3A_4 : i32
    %scan3A_6 = arith.constant 1 : i32
    scf.for %scan3A_8 = %scan3A_3 to %scan3A_5 step %scan3A_6  : i32 {
      %mul3A_9 = arith.constant 32 : i32
      %mul3A_10 = arith.muli %scan3A_8, %mul3A_9 : i32
      %dma_start3A = tpu.memref_slice %arg5[%mul3A_10] : memref<128xi32, #tpu.memory_space<vmem>> -> memref<32xi32, #tpu.memory_space<vmem>>
      %dma_start3A_11 = arith.constant 0 : i32
      %dma_start3A_12 = arith.constant 0 : i32
      %dma_start3A_13 = tpu.memref_slice %arg2[%dma_start3A_11, %dma_start3A_12] : memref<100000x2048xf32, #tpu.memory_space<hbm>> -> memref<100000x2048xf32, #tpu.memory_space<hbm>>
      tpu.enqueue_indirect_dma source(%dma_start3A_13 : memref<100000x2048xf32, #tpu.memory_space<hbm>>) target(%arg6 : memref<32x2048xf32, #tpu.memory_space<vmem>>) offsets(%dma_start3A : memref<32xi32, #tpu.memory_space<vmem>>) semaphore(%arg7 : memref<!tpu.dma_semaphore, #tpu.memory_space<semaphore_mem>>)
      %dma_wait3A = tpu.memref_slice %arg5[%mul3A_10] : memref<128xi32, #tpu.memory_space<vmem>> -> memref<32xi32, #tpu.memory_space<vmem>>
      %dma_wait3A_14 = arith.constant 0 : i32
      %dma_wait3A_15 = arith.constant 0 : i32
      %dma_wait3A_16 = tpu.memref_slice %arg2[%dma_wait3A_14, %dma_wait3A_15] : memref<100000x2048xf32, #tpu.memory_space<hbm>> -> memref<100000x2048xf32, #tpu.memory_space<hbm>>
      tpu.wait_indirect_dma semaphore(%arg7 : memref<!tpu.dma_semaphore, #tpu.memory_space<semaphore_mem>>) src(%dma_wait3A_16 : memref<100000x2048xf32, #tpu.memory_space<hbm>>) dst(%arg6 : memref<32x2048xf32, #tpu.memory_space<vmem>>)
      %add3A_17 = arith.addi %mul3A_2, %mul3A_10 : i32
      "tpu.region"() ({
        %run_scoped3A = tpu.sem_alloc : memref<!tpu.dma_semaphore, #tpu.memory_space<semaphore_mem>>
        %dma_start3A_18 = arith.constant 0 : i32
        %dma_start3A_19 = tpu.memref_slice %arg4[%add3A_17, %dma_start3A_18] : memref<4096x2048xf32, #tpu.memory_space<hbm>> -> memref<32x2048xf32, #tpu.memory_space<hbm>>
        %dma_start3A_20 = arith.constant 0 : i32
        %dma_start3A_21 = tpu.memref_slice %arg4[%add3A_17, %dma_start3A_20] : memref<4096x2048xf32, #tpu.memory_space<hbm>> -> memref<32x2048xf32, #tpu.memory_space<hbm>>
        tpu.enqueue_dma source(%arg6 : memref<32x2048xf32, #tpu.memory_space<vmem>>) target(%dma_start3A_21 : memref<32x2048xf32, #tpu.memory_space<hbm>>) target_semaphore(%run_scoped3A : memref<!tpu.dma_semaphore, #tpu.memory_space<semaphore_mem>>)
        %dma_wait3A_22 = arith.constant 0 : i32
        %dma_wait3A_23 = tpu.memref_slice %arg4[%add3A_17, %dma_wait3A_22] : memref<4096x2048xf32, #tpu.memory_space<hbm>> -> memref<32x2048xf32, #tpu.memory_space<hbm>>
        %dma_wait3A_24 = arith.constant 0 : i32
        %dma_wait3A_25 = tpu.memref_slice %arg4[%add3A_17, %dma_wait3A_24] : memref<4096x2048xf32, #tpu.memory_space<hbm>> -> memref<32x2048xf32, #tpu.memory_space<hbm>>
        tpu.wait_dma2 semaphore(%run_scoped3A : memref<!tpu.dma_semaphore, #tpu.memory_space<semaphore_mem>>) src(%arg6 : memref<32x2048xf32, #tpu.memory_space<vmem>>) dst(%dma_wait3A_25 : memref<32x2048xf32, #tpu.memory_space<hbm>>)
        tpu.yield
      }) : () -> ()
    }
    %scan3A_7 = arith.constant 4 : i32
    return
  }
}

#map = affine_map<(d0, d1) -> (0, 0)>
#map1 = affine_map<(d0, d1) -> (0)>
module attributes {stable_mosaic.version = 14 : i64} {
  func.func @_gather_body(%arg0: i32, %arg1: i32, %arg2: memref<100000x2048xf32, #tpu.memory_space<hbm>>, %arg3: memref<4096xi32, #tpu.memory_space<hbm>>, %arg4: memref<4096x2048xf32, #tpu.memory_space<hbm>>, %arg5: memref<128xi32, #tpu.memory_space<vmem>>, %arg6: memref<32x2048xf32, #tpu.memory_space<vmem>>, %arg7: memref<!tpu.dma_semaphore, #tpu.memory_space<semaphore_mem>>) attributes {dimension_semantics = [#tpu.dimension_semantics<core_parallel>, #tpu.dimension_semantics<subcore_parallel>], iteration_bounds = array<i64: 2, 16>, scalar_prefetch = 0 : i64, scratch_operands = 3 : i64, tpu.core_type = #tpu.core_type<sc_vector_subcore>, window_params = [{transform_indices = #map}, {transform_indices = #map1}, {transform_indices = #map}]} {
    %mul3A = arith.constant 2 : i32
    %mul3A_0 = arith.muli %arg1, %mul3A : i32
    %add3A = arith.addi %mul3A_0, %arg0 : i32
    %mul3A_1 = arith.constant 128 : i32
    %mul3A_2 = arith.muli %add3A, %mul3A_1 : i32
    "tpu.region"() ({
      %run_scoped3A = tpu.sem_alloc : memref<!tpu.dma_semaphore, #tpu.memory_space<semaphore_mem>>
      %dma_start3A = tpu.memref_slice %arg3[%mul3A_2] : memref<4096xi32, #tpu.memory_space<hbm>> -> memref<128xi32, #tpu.memory_space<hbm>>
      %dma_start3A_8 = tpu.memref_slice %arg3[%mul3A_2] : memref<4096xi32, #tpu.memory_space<hbm>> -> memref<128xi32, #tpu.memory_space<hbm>>
      tpu.enqueue_dma source(%dma_start3A_8 : memref<128xi32, #tpu.memory_space<hbm>>) target(%arg5 : memref<128xi32, #tpu.memory_space<vmem>>) target_semaphore(%run_scoped3A : memref<!tpu.dma_semaphore, #tpu.memory_space<semaphore_mem>>)
      %dma_wait3A = tpu.memref_slice %arg3[%mul3A_2] : memref<4096xi32, #tpu.memory_space<hbm>> -> memref<128xi32, #tpu.memory_space<hbm>>
      %dma_wait3A_9 = tpu.memref_slice %arg3[%mul3A_2] : memref<4096xi32, #tpu.memory_space<hbm>> -> memref<128xi32, #tpu.memory_space<hbm>>
      tpu.wait_dma2 semaphore(%run_scoped3A : memref<!tpu.dma_semaphore, #tpu.memory_space<semaphore_mem>>) src(%dma_wait3A_9 : memref<128xi32, #tpu.memory_space<hbm>>) dst(%arg5 : memref<128xi32, #tpu.memory_space<vmem>>)
      tpu.yield
    }) : () -> ()
    %scan3A = arith.constant 0 : i32
    %scan3A_3 = arith.constant 0 : i32
    %scan3A_4 = arith.constant 4 : i32
    %scan3A_5 = arith.addi %scan3A_3, %scan3A_4 : i32
    %scan3A_6 = arith.constant 1 : i32
    scf.for %scan3A_8 = %scan3A_3 to %scan3A_5 step %scan3A_6  : i32 {
      %mul3A_9 = arith.constant 32 : i32
      %mul3A_10 = arith.muli %scan3A_8, %mul3A_9 : i32
      %dma_start3A = tpu.memref_slice %arg5[%mul3A_10] : memref<128xi32, #tpu.memory_space<vmem>> -> memref<32xi32, #tpu.memory_space<vmem>>
      %dma_start3A_11 = arith.constant 0 : i32
      %dma_start3A_12 = arith.constant 0 : i32
      %dma_start3A_13 = tpu.memref_slice %arg2[%dma_start3A_11, %dma_start3A_12] : memref<100000x2048xf32, #tpu.memory_space<hbm>> -> memref<100000x2048xf32, #tpu.memory_space<hbm>>
      tpu.enqueue_indirect_dma source(%dma_start3A_13 : memref<100000x2048xf32, #tpu.memory_space<hbm>>) target(%arg6 : memref<32x2048xf32, #tpu.memory_space<vmem>>) offsets(%dma_start3A : memref<32xi32, #tpu.memory_space<vmem>>) semaphore(%arg7 : memref<!tpu.dma_semaphore, #tpu.memory_space<semaphore_mem>>)
      %dma_wait3A = tpu.memref_slice %arg5[%mul3A_10] : memref<128xi32, #tpu.memory_space<vmem>> -> memref<32xi32, #tpu.memory_space<vmem>>
      %dma_wait3A_14 = arith.constant 0 : i32
      %dma_wait3A_15 = arith.constant 0 : i32
      %dma_wait3A_16 = tpu.memref_slice %arg2[%dma_wait3A_14, %dma_wait3A_15] : memref<100000x2048xf32, #tpu.memory_space<hbm>> -> memref<100000x2048xf32, #tpu.memory_space<hbm>>
      tpu.wait_indirect_dma semaphore(%arg7 : memref<!tpu.dma_semaphore, #tpu.memory_space<semaphore_mem>>) src(%dma_wait3A_16 : memref<100000x2048xf32, #tpu.memory_space<hbm>>) dst(%arg6 : memref<32x2048xf32, #tpu.memory_space<vmem>>)
      %add3A_17 = arith.addi %mul3A_2, %mul3A_10 : i32
      "tpu.region"() ({
        %run_scoped3A = tpu.sem_alloc : memref<!tpu.dma_semaphore, #tpu.memory_space<semaphore_mem>>
        %dma_start3A_18 = arith.constant 0 : i32
        %dma_start3A_19 = tpu.memref_slice %arg4[%add3A_17, %dma_start3A_18] : memref<4096x2048xf32, #tpu.memory_space<hbm>> -> memref<32x2048xf32, #tpu.memory_space<hbm>>
        %dma_start3A_20 = arith.constant 0 : i32
        %dma_start3A_21 = tpu.memref_slice %arg4[%add3A_17, %dma_start3A_20] : memref<4096x2048xf32, #tpu.memory_space<hbm>> -> memref<32x2048xf32, #tpu.memory_space<hbm>>
        tpu.enqueue_dma source(%arg6 : memref<32x2048xf32, #tpu.memory_space<vmem>>) target(%dma_start3A_21 : memref<32x2048xf32, #tpu.memory_space<hbm>>) target_semaphore(%run_scoped3A : memref<!tpu.dma_semaphore, #tpu.memory_space<semaphore_mem>>)
        %dma_wait3A_22 = arith.constant 0 : i32
        %dma_wait3A_23 = tpu.memref_slice %arg4[%add3A_17, %dma_wait3A_22] : memref<4096x2048xf32, #tpu.memory_space<hbm>> -> memref<32x2048xf32, #tpu.memory_space<hbm>>
        %dma_wait3A_24 = arith.constant 0 : i32
        %dma_wait3A_25 = tpu.memref_slice %arg4[%add3A_17, %dma_wait3A_24] : memref<4096x2048xf32, #tpu.memory_space<hbm>> -> memref<32x2048xf32, #tpu.memory_space<hbm>>
        tpu.wait_dma2 semaphore(%run_scoped3A : memref<!tpu.dma_semaphore, #tpu.memory_space<semaphore_mem>>) src(%arg6 : memref<32x2048xf32, #tpu.memory_space<vmem>>) dst(%dma_wait3A_25 : memref<32x2048xf32, #tpu.memory_space<hbm>>)
        tpu.yield
      }) : () -> ()
    }
    %scan3A_7 = arith.constant 4 : i32
    return
  }
}

module attributes {stable_mosaic.version = 14 : i64} {
  func.func @_mm_body(%arg0: i32, %arg1: memref<256x2048xf32, #tpu.memory_space<vmem>>, %arg2: memref<256x1xi32, #tpu.memory_space<vmem>>, %arg3: memref<2048x2048xbf16, #tpu.memory_space<vmem>>, %arg4: memref<2048x2048xbf16, #tpu.memory_space<vmem>>, %arg5: memref<256x2048xf32, #tpu.memory_space<vmem>>) attributes {dimension_semantics = [#tpu.dimension_semantics<arbitrary>], iteration_bounds = array<i64: 16>, scalar_prefetch = 0 : i64, scratch_operands = 0 : i64, tpu.core_type = #tpu.core_type<tc>, window_params = [{transform_indices = @transform_0, window_bounds = array<i64: 256, 2048>}, {transform_indices = @transform_1, window_bounds = array<i64: 256, 1>}, {pipeline_mode = #tpu.pipeline_mode<synchronous>, transform_indices = @transform_2, window_bounds = array<i64: 2048, 2048>}, {pipeline_mode = #tpu.pipeline_mode<synchronous>, transform_indices = @transform_3, window_bounds = array<i64: 2048, 2048>}, {transform_indices = @transform_4, window_bounds = array<i64: 256, 2048>}]} {
    %get3A = arith.constant 0 : index
    %get3A_0 = arith.constant 0 : index
    %get3A_1 = vector.load %arg1[%get3A, %get3A_0] : memref<256x2048xf32, #tpu.memory_space<vmem>>, vector<256x2048xf32>
    %convert_element_type3A = arith.truncf %get3A_1 : vector<256x2048xf32> to vector<256x2048xbf16>
    %get3A_2 = arith.constant 0 : index
    %get3A_3 = arith.constant 0 : index
    %get3A_4 = vector.load %arg3[%get3A_2, %get3A_3] : memref<2048x2048xbf16, #tpu.memory_space<vmem>>, vector<2048x2048xbf16>
    %dot_general3A = arith.constant dense<0.000000e+00> : vector<256x2048xf32>
    %dot_general3A_5 = tpu.matmul %convert_element_type3A, %get3A_4, %dot_general3A {dimension_numbers = #tpu.dot_dimension_numbers<[1], [1], [0], [0], [0, 0, 1, 0], [], []>, transpose_lhs_hint = false} : vector<256x2048xbf16>, vector<2048x2048xbf16>, vector<256x2048xf32> -> vector<256x2048xf32>
    %get3A_6 = arith.constant 0 : index
    %get3A_7 = arith.constant 0 : index
    %get3A_8 = vector.load %arg4[%get3A_6, %get3A_7] : memref<2048x2048xbf16, #tpu.memory_space<vmem>>, vector<2048x2048xbf16>
    %dot_general3A_9 = arith.constant dense<0.000000e+00> : vector<256x2048xf32>
    %dot_general3A_10 = tpu.matmul %convert_element_type3A, %get3A_8, %dot_general3A_9 {dimension_numbers = #tpu.dot_dimension_numbers<[1], [1], [0], [0], [0, 0, 1, 0], [], []>, transpose_lhs_hint = false} : vector<256x2048xbf16>, vector<2048x2048xbf16>, vector<256x2048xf32> -> vector<256x2048xf32>
    %get3A_11 = arith.constant 0 : index
    %get3A_12 = arith.constant 0 : index
    %get3A_13 = vector.load %arg2[%get3A_11, %get3A_12] : memref<256x1xi32, #tpu.memory_space<vmem>>, vector<256x1xi32>
    %eq3A = arith.constant 0 : i32
    %eq3A_14 = vector.broadcast %eq3A : i32 to vector<256x1xi32>
    %eq3A_15 = arith.cmpi eq, %get3A_13, %eq3A_14 : vector<256x1xi32>
    %broadcast_in_dim3A = vector.shape_cast %eq3A_15 : vector<256x1xi1> to vector<256x1xi1>
    %broadcast_in_dim3A_16 = vector.broadcast %broadcast_in_dim3A : vector<256x1xi1> to vector<256x2048xi1>
    %select_n3A = arith.select %broadcast_in_dim3A_16, %dot_general3A_5, %dot_general3A_10 : vector<256x2048xi1>, vector<256x2048xf32>
    %swap3A = arith.constant 0 : index
    %swap3A_17 = arith.constant 0 : index
    %swap3A_18 = vector.load %arg5[%swap3A, %swap3A_17] : memref<256x2048xf32, #tpu.memory_space<vmem>>, vector<256x2048xf32>
    tpu.vector_store %arg5[%swap3A, %swap3A_17], %select_n3A {strides = array<i32>} : memref<256x2048xf32, #tpu.memory_space<vmem>>, vector<256x2048xf32>,
    return
  }
  func.func @transform_0(%arg0: i32) -> (i32, i32) {
    %c0_i32 = arith.constant 0 : i32
    %c0_i32_0 = arith.constant 0 : i32
    return %arg0, %c0_i32 : i32, i32
  }
  func.func @transform_1(%arg0: i32) -> (i32, i32) {
    %c0_i32 = arith.constant 0 : i32
    %c0_i32_0 = arith.constant 0 : i32
    return %arg0, %c0_i32 : i32, i32
  }
  func.func @transform_2(%arg0: i32) -> (i32, i32) {
    %c0_i32 = arith.constant 0 : i32
    %c0_i32_0 = arith.constant 0 : i32
    %c0_i32_1 = arith.constant 0 : i32
    return %c0_i32, %c0_i32_0 : i32, i32
  }
  func.func @transform_3(%arg0: i32) -> (i32, i32) {
    %c0_i32 = arith.constant 0 : i32
    %c0_i32_0 = arith.constant 0 : i32
    %c0_i32_1 = arith.constant 0 : i32
    return %c0_i32, %c0_i32_0 : i32, i32
  }
  func.func @transform_4(%arg0: i32) -> (i32, i32) {
    %add3A = arith.constant 0 : i32
    %add3A_0 = arith.addi %add3A, %arg0 : i32
    %c0_i32 = arith.constant 0 : i32
    %c0_i32_1 = arith.constant 0 : i32
    return %add3A_0, %c0_i32 : i32, i32
  }
}

module attributes {stable_mosaic.version = 14 : i64} {
  func.func @_mm_body_alias(%arg0: i32, %arg1: memref<256x2048xf32, #tpu.memory_space<vmem>>, %arg2: memref<256x1xi32, #tpu.memory_space<vmem>>, %arg3: memref<2048x2048xbf16, #tpu.memory_space<vmem>>, %arg4: memref<2048x2048xbf16, #tpu.memory_space<vmem>>, %arg5: memref<16384x2048xf32, #tpu.memory_space<any>>, %arg6: memref<256x2048xf32, #tpu.memory_space<vmem>>) attributes {dimension_semantics = [#tpu.dimension_semantics<arbitrary>], iteration_bounds = array<i64: 16>, scalar_prefetch = 0 : i64, scratch_operands = 0 : i64, tpu.core_type = #tpu.core_type<tc>, window_params = [{transform_indices = @transform_0, window_bounds = array<i64: 256, 2048>}, {transform_indices = @transform_1, window_bounds = array<i64: 256, 1>}, {pipeline_mode = #tpu.pipeline_mode<synchronous>, transform_indices = @transform_2, window_bounds = array<i64: 2048, 2048>}, {pipeline_mode = #tpu.pipeline_mode<synchronous>, transform_indices = @transform_3, window_bounds = array<i64: 2048, 2048>}, {}, {transform_indices = @transform_5, window_bounds = array<i64: 256, 2048>}]} {
    %get3A = arith.constant 0 : index
    %get3A_0 = arith.constant 0 : index
    %get3A_1 = vector.load %arg1[%get3A, %get3A_0] : memref<256x2048xf32, #tpu.memory_space<vmem>>, vector<256x2048xf32>
    %convert_element_type3A = arith.truncf %get3A_1 : vector<256x2048xf32> to vector<256x2048xbf16>
    %get3A_2 = arith.constant 0 : index
    %get3A_3 = arith.constant 0 : index
    %get3A_4 = vector.load %arg3[%get3A_2, %get3A_3] : memref<2048x2048xbf16, #tpu.memory_space<vmem>>, vector<2048x2048xbf16>
    %dot_general3A = arith.constant dense<0.000000e+00> : vector<256x2048xf32>
    %dot_general3A_5 = tpu.matmul %convert_element_type3A, %get3A_4, %dot_general3A {dimension_numbers = #tpu.dot_dimension_numbers<[1], [1], [0], [0], [0, 0, 1, 0], [], []>, transpose_lhs_hint = false} : vector<256x2048xbf16>, vector<2048x2048xbf16>, vector<256x2048xf32> -> vector<256x2048xf32>
    %get3A_6 = arith.constant 0 : index
    %get3A_7 = arith.constant 0 : index
    %get3A_8 = vector.load %arg4[%get3A_6, %get3A_7] : memref<2048x2048xbf16, #tpu.memory_space<vmem>>, vector<2048x2048xbf16>
    %dot_general3A_9 = arith.constant dense<0.000000e+00> : vector<256x2048xf32>
    %dot_general3A_10 = tpu.matmul %convert_element_type3A, %get3A_8, %dot_general3A_9 {dimension_numbers = #tpu.dot_dimension_numbers<[1], [1], [0], [0], [0, 0, 1, 0], [], []>, transpose_lhs_hint = false} : vector<256x2048xbf16>, vector<2048x2048xbf16>, vector<256x2048xf32> -> vector<256x2048xf32>
    %get3A_11 = arith.constant 0 : index
    %get3A_12 = arith.constant 0 : index
    %get3A_13 = vector.load %arg2[%get3A_11, %get3A_12] : memref<256x1xi32, #tpu.memory_space<vmem>>, vector<256x1xi32>
    %eq3A = arith.constant 0 : i32
    %eq3A_14 = vector.broadcast %eq3A : i32 to vector<256x1xi32>
    %eq3A_15 = arith.cmpi eq, %get3A_13, %eq3A_14 : vector<256x1xi32>
    %broadcast_in_dim3A = vector.shape_cast %eq3A_15 : vector<256x1xi1> to vector<256x1xi1>
    %broadcast_in_dim3A_16 = vector.broadcast %broadcast_in_dim3A : vector<256x1xi1> to vector<256x2048xi1>
    %select_n3A = arith.select %broadcast_in_dim3A_16, %dot_general3A_5, %dot_general3A_10 : vector<256x2048xi1>, vector<256x2048xf32>
    %swap3A = arith.constant 0 : index
    %swap3A_17 = arith.constant 0 : index
    %swap3A_18 = vector.load %arg6[%swap3A, %swap3A_17] : memref<256x2048xf32, #tpu.memory_space<vmem>>, vector<256x2048xf32>
    tpu.vector_store %arg6[%swap3A, %swap3A_17], %select_n3A {strides = array<i32>} : memref<256x2048xf32, #tpu.memory_space<vmem>>, vector<256x2048xf32>,
    return
  }
  func.func @transform_0(%arg0: i32) -> (i32, i32) {
    %c0_i32 = arith.constant 0 : i32
    %c0_i32_0 = arith.constant 0 : i32
    return %arg0, %c0_i32 : i32, i32
  }
  func.func @transform_1(%arg0: i32) -> (i32, i32) {
    %c0_i32 = arith.constant 0 : i32
    %c0_i32_0 = arith.constant 0 : i32
    return %arg0, %c0_i32 : i32, i32
  }
  func.func @transform_2(%arg0: i32) -> (i32, i32) {
    %c0_i32 = arith.constant 0 : i32
    %c0_i32_0 = arith.constant 0 : i32
    %c0_i32_1 = arith.constant 0 : i32
    return %c0_i32, %c0_i32_0 : i32, i32
  }
  func.func @transform_3(%arg0: i32) -> (i32, i32) {
    %c0_i32 = arith.constant 0 : i32
    %c0_i32_0 = arith.constant 0 : i32
    %c0_i32_1 = arith.constant 0 : i32
    return %c0_i32, %c0_i32_0 : i32, i32
  }
  func.func @transform_5(%arg0: i32) -> (i32, i32) {
    %add3A = arith.constant 16 : i32
    %add3A_0 = arith.addi %add3A, %arg0 : i32
    %c0_i32 = arith.constant 0 : i32
    %c0_i32_1 = arith.constant 0 : i32
    return %add3A_0, %c0_i32 : i32, i32
  }
}

module attributes {stable_mosaic.version = 14 : i64} {
  func.func @_mm_body_alias(%arg0: i32, %arg1: memref<256x2048xf32, #tpu.memory_space<vmem>>, %arg2: memref<256x1xi32, #tpu.memory_space<vmem>>, %arg3: memref<2048x2048xbf16, #tpu.memory_space<vmem>>, %arg4: memref<2048x2048xbf16, #tpu.memory_space<vmem>>, %arg5: memref<16384x2048xf32, #tpu.memory_space<any>>, %arg6: memref<256x2048xf32, #tpu.memory_space<vmem>>) attributes {dimension_semantics = [#tpu.dimension_semantics<arbitrary>], iteration_bounds = array<i64: 16>, scalar_prefetch = 0 : i64, scratch_operands = 0 : i64, tpu.core_type = #tpu.core_type<tc>, window_params = [{transform_indices = @transform_0, window_bounds = array<i64: 256, 2048>}, {transform_indices = @transform_1, window_bounds = array<i64: 256, 1>}, {pipeline_mode = #tpu.pipeline_mode<synchronous>, transform_indices = @transform_2, window_bounds = array<i64: 2048, 2048>}, {pipeline_mode = #tpu.pipeline_mode<synchronous>, transform_indices = @transform_3, window_bounds = array<i64: 2048, 2048>}, {}, {transform_indices = @transform_5, window_bounds = array<i64: 256, 2048>}]} {
    %get3A = arith.constant 0 : index
    %get3A_0 = arith.constant 0 : index
    %get3A_1 = vector.load %arg1[%get3A, %get3A_0] : memref<256x2048xf32, #tpu.memory_space<vmem>>, vector<256x2048xf32>
    %convert_element_type3A = arith.truncf %get3A_1 : vector<256x2048xf32> to vector<256x2048xbf16>
    %get3A_2 = arith.constant 0 : index
    %get3A_3 = arith.constant 0 : index
    %get3A_4 = vector.load %arg3[%get3A_2, %get3A_3] : memref<2048x2048xbf16, #tpu.memory_space<vmem>>, vector<2048x2048xbf16>
    %dot_general3A = arith.constant dense<0.000000e+00> : vector<256x2048xf32>
    %dot_general3A_5 = tpu.matmul %convert_element_type3A, %get3A_4, %dot_general3A {dimension_numbers = #tpu.dot_dimension_numbers<[1], [1], [0], [0], [0, 0, 1, 0], [], []>, transpose_lhs_hint = false} : vector<256x2048xbf16>, vector<2048x2048xbf16>, vector<256x2048xf32> -> vector<256x2048xf32>
    %get3A_6 = arith.constant 0 : index
    %get3A_7 = arith.constant 0 : index
    %get3A_8 = vector.load %arg4[%get3A_6, %get3A_7] : memref<2048x2048xbf16, #tpu.memory_space<vmem>>, vector<2048x2048xbf16>
    %dot_general3A_9 = arith.constant dense<0.000000e+00> : vector<256x2048xf32>
    %dot_general3A_10 = tpu.matmul %convert_element_type3A, %get3A_8, %dot_general3A_9 {dimension_numbers = #tpu.dot_dimension_numbers<[1], [1], [0], [0], [0, 0, 1, 0], [], []>, transpose_lhs_hint = false} : vector<256x2048xbf16>, vector<2048x2048xbf16>, vector<256x2048xf32> -> vector<256x2048xf32>
    %get3A_11 = arith.constant 0 : index
    %get3A_12 = arith.constant 0 : index
    %get3A_13 = vector.load %arg2[%get3A_11, %get3A_12] : memref<256x1xi32, #tpu.memory_space<vmem>>, vector<256x1xi32>
    %eq3A = arith.constant 0 : i32
    %eq3A_14 = vector.broadcast %eq3A : i32 to vector<256x1xi32>
    %eq3A_15 = arith.cmpi eq, %get3A_13, %eq3A_14 : vector<256x1xi32>
    %broadcast_in_dim3A = vector.shape_cast %eq3A_15 : vector<256x1xi1> to vector<256x1xi1>
    %broadcast_in_dim3A_16 = vector.broadcast %broadcast_in_dim3A : vector<256x1xi1> to vector<256x2048xi1>
    %select_n3A = arith.select %broadcast_in_dim3A_16, %dot_general3A_5, %dot_general3A_10 : vector<256x2048xi1>, vector<256x2048xf32>
    %swap3A = arith.constant 0 : index
    %swap3A_17 = arith.constant 0 : index
    %swap3A_18 = vector.load %arg6[%swap3A, %swap3A_17] : memref<256x2048xf32, #tpu.memory_space<vmem>>, vector<256x2048xf32>
    tpu.vector_store %arg6[%swap3A, %swap3A_17], %select_n3A {strides = array<i32>} : memref<256x2048xf32, #tpu.memory_space<vmem>>, vector<256x2048xf32>,
    return
  }
  func.func @transform_0(%arg0: i32) -> (i32, i32) {
    %c0_i32 = arith.constant 0 : i32
    %c0_i32_0 = arith.constant 0 : i32
    return %arg0, %c0_i32 : i32, i32
  }
  func.func @transform_1(%arg0: i32) -> (i32, i32) {
    %c0_i32 = arith.constant 0 : i32
    %c0_i32_0 = arith.constant 0 : i32
    return %arg0, %c0_i32 : i32, i32
  }
  func.func @transform_2(%arg0: i32) -> (i32, i32) {
    %c0_i32 = arith.constant 0 : i32
    %c0_i32_0 = arith.constant 0 : i32
    %c0_i32_1 = arith.constant 0 : i32
    return %c0_i32, %c0_i32_0 : i32, i32
  }
  func.func @transform_3(%arg0: i32) -> (i32, i32) {
    %c0_i32 = arith.constant 0 : i32
    %c0_i32_0 = arith.constant 0 : i32
    %c0_i32_1 = arith.constant 0 : i32
    return %c0_i32, %c0_i32_0 : i32, i32
  }
  func.func @transform_5(%arg0: i32) -> (i32, i32) {
    %add3A = arith.constant 48 : i32
    %add3A_0 = arith.addi %add3A, %arg0 : i32
    %c0_i32 = arith.constant 0 : i32
    %c0_i32_1 = arith.constant 0 : i32
    return %add3A_0, %c0_i32 : i32, i32
  }
}

module attributes {stable_mosaic.version = 14 : i64} {
  func.func @_mm_body_alias(%arg0: i32, %arg1: memref<256x2048xf32, #tpu.memory_space<vmem>>, %arg2: memref<256x1xi32, #tpu.memory_space<vmem>>, %arg3: memref<2048x2048xbf16, #tpu.memory_space<vmem>>, %arg4: memref<2048x2048xbf16, #tpu.memory_space<vmem>>, %arg5: memref<16384x2048xf32, #tpu.memory_space<any>>, %arg6: memref<256x2048xf32, #tpu.memory_space<vmem>>) attributes {dimension_semantics = [#tpu.dimension_semantics<arbitrary>], iteration_bounds = array<i64: 16>, scalar_prefetch = 0 : i64, scratch_operands = 0 : i64, tpu.core_type = #tpu.core_type<tc>, window_params = [{transform_indices = @transform_0, window_bounds = array<i64: 256, 2048>}, {transform_indices = @transform_1, window_bounds = array<i64: 256, 1>}, {pipeline_mode = #tpu.pipeline_mode<synchronous>, transform_indices = @transform_2, window_bounds = array<i64: 2048, 2048>}, {pipeline_mode = #tpu.pipeline_mode<synchronous>, transform_indices = @transform_3, window_bounds = array<i64: 2048, 2048>}, {}, {transform_indices = @transform_5, window_bounds = array<i64: 256, 2048>}]} {
    %get3A = arith.constant 0 : index
    %get3A_0 = arith.constant 0 : index
    %get3A_1 = vector.load %arg1[%get3A, %get3A_0] : memref<256x2048xf32, #tpu.memory_space<vmem>>, vector<256x2048xf32>
    %convert_element_type3A = arith.truncf %get3A_1 : vector<256x2048xf32> to vector<256x2048xbf16>
    %get3A_2 = arith.constant 0 : index
    %get3A_3 = arith.constant 0 : index
    %get3A_4 = vector.load %arg3[%get3A_2, %get3A_3] : memref<2048x2048xbf16, #tpu.memory_space<vmem>>, vector<2048x2048xbf16>
    %dot_general3A = arith.constant dense<0.000000e+00> : vector<256x2048xf32>
    %dot_general3A_5 = tpu.matmul %convert_element_type3A, %get3A_4, %dot_general3A {dimension_numbers = #tpu.dot_dimension_numbers<[1], [1], [0], [0], [0, 0, 1, 0], [], []>, transpose_lhs_hint = false} : vector<256x2048xbf16>, vector<2048x2048xbf16>, vector<256x2048xf32> -> vector<256x2048xf32>
    %get3A_6 = arith.constant 0 : index
    %get3A_7 = arith.constant 0 : index
    %get3A_8 = vector.load %arg4[%get3A_6, %get3A_7] : memref<2048x2048xbf16, #tpu.memory_space<vmem>>, vector<2048x2048xbf16>
    %dot_general3A_9 = arith.constant dense<0.000000e+00> : vector<256x2048xf32>
    %dot_general3A_10 = tpu.matmul %convert_element_type3A, %get3A_8, %dot_general3A_9 {dimension_numbers = #tpu.dot_dimension_numbers<[1], [1], [0], [0], [0, 0, 1, 0], [], []>, transpose_lhs_hint = false} : vector<256x2048xbf16>, vector<2048x2048xbf16>, vector<256x2048xf32> -> vector<256x2048xf32>
    %get3A_11 = arith.constant 0 : index
    %get3A_12 = arith.constant 0 : index
    %get3A_13 = vector.load %arg2[%get3A_11, %get3A_12] : memref<256x1xi32, #tpu.memory_space<vmem>>, vector<256x1xi32>
    %eq3A = arith.constant 0 : i32
    %eq3A_14 = vector.broadcast %eq3A : i32 to vector<256x1xi32>
    %eq3A_15 = arith.cmpi eq, %get3A_13, %eq3A_14 : vector<256x1xi32>
    %broadcast_in_dim3A = vector.shape_cast %eq3A_15 : vector<256x1xi1> to vector<256x1xi1>
    %broadcast_in_dim3A_16 = vector.broadcast %broadcast_in_dim3A : vector<256x1xi1> to vector<256x2048xi1>
    %select_n3A = arith.select %broadcast_in_dim3A_16, %dot_general3A_5, %dot_general3A_10 : vector<256x2048xi1>, vector<256x2048xf32>
    %swap3A = arith.constant 0 : index
    %swap3A_17 = arith.constant 0 : index
    %swap3A_18 = vector.load %arg6[%swap3A, %swap3A_17] : memref<256x2048xf32, #tpu.memory_space<vmem>>, vector<256x2048xf32>
    tpu.vector_store %arg6[%swap3A, %swap3A_17], %select_n3A {strides = array<i32>} : memref<256x2048xf32, #tpu.memory_space<vmem>>, vector<256x2048xf32>,
    return
  }
  func.func @transform_0(%arg0: i32) -> (i32, i32) {
    %c0_i32 = arith.constant 0 : i32
    %c0_i32_0 = arith.constant 0 : i32
    return %arg0, %c0_i32 : i32, i32
  }
  func.func @transform_1(%arg0: i32) -> (i32, i32) {
    %c0_i32 = arith.constant 0 : i32
    %c0_i32_0 = arith.constant 0 : i32
    return %arg0, %c0_i32 : i32, i32
  }
  func.func @transform_2(%arg0: i32) -> (i32, i32) {
    %c0_i32 = arith.constant 0 : i32
    %c0_i32_0 = arith.constant 0 : i32
    %c0_i32_1 = arith.constant 0 : i32
    return %c0_i32, %c0_i32_0 : i32, i32
  }
  func.func @transform_3(%arg0: i32) -> (i32, i32) {
    %c0_i32 = arith.constant 0 : i32
    %c0_i32_0 = arith.constant 0 : i32
    %c0_i32_1 = arith.constant 0 : i32
    return %c0_i32, %c0_i32_0 : i32, i32
  }
  func.func @transform_5(%arg0: i32) -> (i32, i32) {
    %add3A = arith.constant 32 : i32
    %add3A_0 = arith.addi %add3A, %arg0 : i32
    %c0_i32 = arith.constant 0 : i32
    %c0_i32_1 = arith.constant 0 : i32
    return %add3A_0, %c0_i32 : i32, i32
  }
}

</mosaic_0001>

<sc_bundles>
// kernel: kernel.10.cloned.1.call-start
scs
__scs_entry_jumppad:
0x0: {  	(pc) =	sbr.rel $0x88, $3  }
0x1: {  	(tag) =	ssettag $0x0;
	lr =	simm.s32 $0x1  }
0x2: {  	[smem:$0x3F9C] =	sst lr;
	_ =	strace $0xD0000000  }
0x3: {  	_ = 	snop  }
0x4: {  	_ = 	snop  }
0x5: {  	_ = 	snop  }
0x6: {  	_ = 	snop  }
0x7: {  	_ = 	snop  }
__scs_overlays_trampoline_lowered:
0x8: {  	[smem:$0x3FAB] =	sst s0  }
0x9: {  	[smem:$0x3FAC] =	sst s1  }
0xa: {  	[smem:$0x3FAD] =	sst s2  }
0xb: {  	[smem:$0x3FAE] =	sst s3  }
0xc: {  	[smem:$0x3FAF] =	sst s4  }
0xd: {  	[smem:$0x3FB0] =	sst s5  }
0xe: {  	[smem:$0x3FB1] =	sst s6  }
0xf: {  	[smem:$0x3FB2] =	sst s7  }
0x10: {  	[smem:$0x3FB3] =	sst s8  }
0x11: {  	[smem:$0x3FB4] =	sst s9;
	s0 =	simm.s32 @!p0 $0x0  }
0x12: {  	s1 =	sld [smem:$0x3F9A];
	s0 =	simm.s32 @p0 $0x1  }
0x13: {  	[smem:$0x3FB5] =	sst s0;
	s0 =	simm.s32 @!p1 $0x0  }
0x14: {  	s2 =	sld [smem:$0x3F99];
	s0 =	simm.s32 @p1 $0x1  }
0x15: {  	[smem:$0x3FB6] =	sst s0;
	s0 =	simm.s32 @!p2 $0x0  }
0x16: {  	s3 =	sld [smem:$0x3FDB];
	s0 =	simm.s32 @p2 $0x1  }
0x17: {  	s4 =	simm.s32 $0x1BF5;
	[smem:$0x3FB8] =	sst s0  }
0x18: {  	s0 =	sld [smem:$0x3F9B];
	_ =	swait.ge [sflag:s4], $0x0  }
0x19: {  	s7 =	sld [smem:$0x3F9C]  }
0x1a: {  	s8 =	sadd.s32 $0xFFFFE003, lr  }
0x1b: {  	s9 =	sadd.s32 $0xFFFFFEF7, lr;
	s5 =	simm.s32 $0xFFFFFFFF;
	p2 =	slt.u32 s8, $0xFFFFF086  }
0x1c: {  	p1 =	slt.u32 s9, $0xF7A;
	s5 =	simm.s32 @!p2 $0x0  }
0x1d: {  	s5 =	simm.s32 @p1 $0x1;
	p0 =	seq.s32 s7, s2  }
0x1e: {  	s7 =	smul.u32 @!p0 $0xF7A, s2;
	p2 =	seq.s32 @!p0 s5, $0x0  }
0x1f: {  	s9 =	smul.u32 $0xF7A, s1;
	s8 =	simm.s32 @!p0 $0x1BF5;
	p2 =	por !p2, p0  }
0x20: {  	[sflag:s8] =	ssyncset.s32 @!p0 $0xFFFFF086;
	s6 =	sadd.s32 @!p0 s3, s7;
	s7 =	simm.s32 @!p0 $0x108  }
0x21: {  	s3 =	sadd.s32 s3, s9;
	s6 =	sadd.s32 @!p0 $0x88, s6;
	s7 =	simm.s32 @p2 $0x1082  }
0x22: {  	[simem:s7], [sflag:s8] =	dma.local @!p0 [hbm:s6], $0xF7A  }
0x23: {  	s9 =	sor.u32 $0xD0000000, s2;
	s6 =	simm.s32 $0x108;
	_ =	swait.ge @!p0 [sflag:s8], $0x0  }
0x24: {  	s3 =	sadd.s32 $0x88, s3;
	s6 =	simm.s32 @!p1 $0x1082;
	[sflag:s4] =	ssyncset.s32 $0xFFFFF086  }
0x25: {  	[simem:s6], [sflag:s4] =	dma.local [hbm:s3], $0xF7A  }
0x26: {  	[smem:$0x3F9C] =	sst s1;
	(tag) =	ssettag s2;
	_ =	strace s9  }
0x27: {  	s1 =	sld [smem:$0x3FAC]  }
0x28: {  	s2 =	sld [smem:$0x3FAD]  }
0x29: {  	s4 =	sld [smem:$0x3FAF]  }
0x2a: {  	p0 =	seq.s32 s5, $0x0;
	s5 =	sld [smem:$0x3FB0]  }
0x2b: {  	s6 =	sld [smem:$0x3FB1]  }
0x2c: {  	s7 =	sld [smem:$0x3FB2]  }
0x2d: {  	s3 =	simm.s32 $0x108;
	s8 =	sld [smem:$0x3FB3]  }
0x2e: {  	s3 =	simm.s32 @!p0 $0x1082;
	s9 =	sld [smem:$0x3FB4]  }
0x2f: {  	lr =	sadd.s32 s0, s3;
	s0 =	sld [smem:$0x3FAB]  }
0x30: {  	s3 =	sld [smem:$0x3FAE]  }
0x31: {  	[smem:$0x3FB7] =	sst s10  }
0x32: {  	s10 =	sld [smem:$0x3FB5];
	_ =	sdelay $0x3  }
0x33: {  	p0 =	seq.s32 s10, $0x1;
	s10 =	sld [smem:$0x3FB7];
	_ =	sdelay $0x3  }
0x34: {  	[smem:$0x3FB7] =	sst s10  }
0x35: {  	s10 =	sld [smem:$0x3FB6];
	_ =	sdelay $0x3  }
0x36: {  	p1 =	seq.s32 s10, $0x1;
	s10 =	sld [smem:$0x3FB7];
	_ =	sdelay $0x3  }
0x37: {  	[smem:$0x3FB7] =	sst s10  }
0x38: {  	s10 =	sld [smem:$0x3FB8]  }
0x39: {  	_ = 	snop;
	(pc) =	sbr.ind lr, $3  }
0x3a: {  	_ = 	snop  }
0x3b: {  	_ = 	snop  }
0x3c: {  	p2 =	seq.s32 s10, $0x1;
	s10 =	sld [smem:$0x3FB7]  }
0x3d: {  	_ =	shalt  }
0x3e: {  	_ =	shalt  }
0x3f: {  	_ =	shalt  }
0x40: {  	_ =	shalt  }
0x41: {  	_ =	shalt  }
0x42: {  	_ =	shalt  }
0x43: {  	_ =	shalt  }
0x44: {  	_ =	shalt  }
0x45: {  	_ =	shalt  }
0x46: {  	_ =	shalt  }
0x47: {  	_ =	shalt  }
0x48: {  	_ =	shalt  }
0x49: {  	_ =	shalt  }
0x4a: {  	_ =	shalt  }
0x4b: {  	_ =	shalt  }
0x4c: {  	_ =	shalt  }
0x4d: {  	_ =	shalt  }
0x4e: {  	_ =	shalt  }
0x4f: {  	_ =	shalt  }
0x50: {  	_ =	shalt  }
0x51: {  	_ =	shalt  }
0x52: {  	_ =	shalt  }
0x53: {  	_ =	shalt  }
0x54: {  	_ =	shalt  }
0x55: {  	_ =	shalt  }
0x56: {  	_ =	shalt  }
0x57: {  	_ =	shalt  }
0x58: {  	_ =	shalt  }
0x59: {  	_ =	shalt  }
0x5a: {  	_ =	shalt  }
0x5b: {  	_ =	shalt  }
0x5c: {  	_ =	shalt  }
0x5d: {  	_ =	shalt  }
0x5e: {  	_ =	shalt  }
0x5f: {  	_ =	shalt  }
0x60: {  	_ =	shalt  }
0x61: {  	_ =	shalt  }
0x62: {  	_ =	shalt  }
0x63: {  	_ =	shalt  }
0x64: {  	_ =	shalt  }
0x65: {  	_ =	shalt  }
0x66: {  	_ =	shalt  }
0x67: {  	_ =	shalt  }
0x68: {  	_ =	shalt  }
0x69: {  	_ =	shalt  }
0x6a: {  	_ =	shalt  }
0x6b: {  	_ =	shalt  }
0x6c: {  	_ =	shalt  }
0x6d: {  	_ =	shalt  }
0x6e: {  	_ =	shalt  }
0x6f: {  	_ =	shalt  }
0x70: {  	_ =	shalt  }
0x71: {  	_ =	shalt  }
0x72: {  	_ =	shalt  }
0x73: {  	_ =	shalt  }
0x74: {  	_ =	shalt  }
0x75: {  	_ =	shalt  }
0x76: {  	_ =	shalt  }
0x77: {  	_ =	shalt  }
0x78: {  	_ =	shalt  }
0x79: {  	_ =	shalt  }
0x7a: {  	_ =	shalt  }
0x7b: {  	_ =	shalt  }
0x7c: {  	_ =	shalt  }
0x7d: {  	_ =	shalt  }
0x7e: {  	_ =	shalt  }
0x7f: {  	_ =	shalt  }
0x80: {  	_ =	shalt  }
0x81: {  	_ =	shalt  }
0x82: {  	_ =	shalt  }
0x83: {  	_ =	shalt  }
0x84: {  	_ =	shalt  }
0x85: {  	_ =	shalt  }
0x86: {  	_ =	shalt  }
0x87: {  	_ =	shalt  }
.Lfunc_end0:
.L_simem_size_0:
called_computation_lowered:
.L_overlay_start_0:
0x88: {  	s2 =	sld [smem:$0x3FD9]  }
0x89: {  	s3 =	sld [smem:$0x3FFE];
	_ =	sdelay $0x1  }
0x8a: {  	s1 =	srdreg.scid  }
0x8b: {  	s0 =	sand.u32 $0x1, s1  }
0x8c: {  	s17 =	sshll.u32 s0, $0xA;
	s2 =	sadd.s32 s3, s2  }
0x8d: {  	s2 =	sadd.s32 s2, s17  }
0x8e: {  	[smem:$0x3FC3] =	sst s2  }
0x8f: {  	_ = 	snop  }
0x90: {  	s2 =	sld [smem:$0x3FC7]  }
0x91: {  	s18 =	sld [smem:$0x3FD0];
	(tm) =	ssettm $0x1  }
0x92: {  	s4 =	sld [smem:$0x3FFB];
	_ =	sdelay $0x3  }
0x93: {  	_ =	strace s4  }
0x94: {  	s4 =	sld [smem:$0x3FFC];
	_ =	sdelay $0x3  }
0x95: {  	_ =	strace s4  }
0x96: {  	s4 =	sld [smem:$0x3FFD];
	_ =	sdelay $0x3  }
0x97: {  	_ =	strace s4  }
0x98: {  	_ =	strace $0x8FFFFFFF  }
0x99: {  	s19 =	sld [smem:$0x3FDB];
	_ =	sdelay $0x1  }
0x9a: {  	s5 =	simm.s32 $_scs_section_size  }
0x9b: {  	s6 =	simm.s32 $_size__tile_overlayer_lowered;
	s7 =	simm.s32 $_tile_overlayer_lowered  }
0x9c: {  	s22 =	simm.s32 $0x1BFF;
	s21 =	sshll.u32 s7, $0x1;
	s4 =	sadd.s32 s5, s19  }
0x9d: {  	s8 =	simm.s32 $0x0;
	s20 =	sshll.u32 s6, $0x1;
	s6 =	sadd.s32 s21, s4  }
0x9e: {  	[timem:s8], [sflag:s22] =	dma.local [hbm:s6], s20  }
0x9f: {  	_ =	swait.ge [sflag:s22], s20  }
0xa0: {  	s5 =	ssub.s32 $0x0, s20;
	[sflag:s22] =	ssyncset.done $0x0  }
0xa1: {  	[sflag:s22] =	ssyncadd.s32 s5;
	_ =	sdelay $0x1  }
0xa2: {  	s23 =	simm.s32 $0x1B8B  }
0xa3: {  	_ =	swait.ge [sflag:s23], $0x1  }
0xa4: {  	[sflag:s23] =	ssyncset.done $0x0  }
0xa5: {  	s25 =	simm.s32 $0x1B8E;
	s24 =	sld [smem:$0x3FFE];
	[sflag:s23] =	ssyncadd.s32 $0xFFFFFFFF  }
0xa6: {  	s26 =	simm.s32 $execute0_lowered;
	[smem:$0x3FD2] =	sst s25  }
0xa7: {  	s6 =	sshll.u32 s26, $0x1;
	_ =	strace $0x80000046;
	[dreg:$0x1] =	wrdreg $0xFFFFFFFF  }
0xa8: {  	s28 =	simm.s32 $_size_execute0_lowered;
	s4 =	sadd.s32 s4, s6;
	[dreg:$0x0] =	wrdreg $0x0  }
0xa9: {  	s6 =	sshll.u32 s28, $0x1;
	[dreg:$0x2] =	wrdreg s4  }
0xaa: {  	[dreg:$0x3] =	wrdreg s6  }
0xab: {  	[dreg:$0x4] =	wrdreg $0xC0  }
0xac: {  	_ =	task [dreg:s8], $0x5FFFF  }
0xad: {  	[dreg:$0x1] =	wrdreg $0xFFFFFFFF  }
0xae: {  	[dreg:$0x0] =	wrdreg $0x60  }
0xaf: {  	[dreg:$0x2] =	wrdreg s2  }
0xb0: {  	[dreg:$0x3] =	wrdreg s18  }
0xb1: {  	[dreg:$0x4] =	wrdreg s24  }
0xb2: {  	[dreg:$0x5] =	wrdreg $0x9  }
0xb3: {  	_ =	task.clear_ibuf [dreg:s8], $0x6FFFF;
	_ =	strace $0x90000046  }
0xb4: {  	s29 =	simm.s32 $0x9;
	_ =	strace $0x80000048  }
0xb5: {  	_ =	swait.ge [sflag:s29], $0x1  }
0xb6: {  	[sflag:s29] =	ssyncadd.s32 $0xFFFFFFFF  }
0xb7: {  	_ =	strace $0x90000048  }
0xb8: {  	_ =	sfence  }
0xb9: {  	s30 =	sld [smem:$0x0];
	_ =	sdelay $0x2  }
0xba: {  	s31 =	sshll.u32 s1, $0xD;
	s1 =	sshrl.u32 s1, $0x2  }
0xbb: {  	s3 =	sand.u32 $0x4000, s31;
	s1 =	sadd.s32 s1, s30  }
0xbc: {  	s0 =	sor.u32 s3, s0;
	s1 =	sshll.u32 s1, $0x11  }
0xbd: {  	s0 =	sor.u32 s1, s0  }
0xbe: {  	s0 =	sadd.s32 $0x8F2B, s0  }
0xbf: {  	[sflag:s0] =	ssyncadd.remote.s32 $0x1  }
0xc0: {  	_ =	sfence.sel $0xFFFF  }
0xc1: {  	[dreg:$0x0] =	wrdreg $0xFFFFFFFF;
	(pc) =	sbr.abs _section_cstart, $3  }
0xc2: {  	[dreg:$0x1] =	wrdreg $0xFFFFFFFF  }
0xc3: {  	_ =	task.clear_ibuf [dreg:s8], $0x2FFFF;
	_ =	strace $0x9FFFFFFF  }
0xc4: {  	(tm) =	ssettm $0x7FFFFFFF  }
0xc5: {  	_ =	shalt  }
tec
execute0_lowered:
.L_overlay_start_1:
0x0: {  	(tag) =	ssettag $0x1  }
0x1: {  	s1 =	rddreg [dreg:$0x0]  }
0x2: {  	s0 =	rddreg [dreg:$0x1]  }
0x3: {  	s2 =	rddreg [dreg:$0x2];
	s3 =	simm.s32 $0x0  }
0x4: {  	s4 =	srdreg.scid;
	s8 =	simm.s32 $0x880;
	[smem:$0x7FF] =	sst s3  }
0x5: {  	s10 =	simm.s32 $0x1080;
	_ =	strace $0x80000047;
	[dreg:$0x4] =	wrdreg s8  }
0x6: {  	s7 =	stileid.u32;
	s11 =	simm.s32 $0x1880;
	[dreg:$0x5] =	wrdreg s10  }
0x7: {  	s13 =	simm.s32 $0x2080;
	s14 =	simm.s32 $0x2880;
	[dreg:$0x6] =	wrdreg s11  }
0x8: {  	s15 =	simm.s32 $0x3080;
	s16 =	simm.s32 $0x3880;
	[dreg:$0x7] =	wrdreg s13  }
0x9: {  	s17 =	simm.s32 $0x4080;
	s18 =	simm.s32 $0x4880;
	[dreg:$0x8] =	wrdreg s14  }
0xa: {  	s19 =	simm.s32 $0x5080;
	s20 =	simm.s32 $0x5880;
	[dreg:$0x9] =	wrdreg s15  }
0xb: {  	s21 =	simm.s32 $0x6080;
	s22 =	simm.s32 $0x6880;
	[dreg:$0xa] =	wrdreg s16  }
0xc: {  	s23 =	simm.s32 $0x7080;
	s24 =	simm.s32 $0x7880;
	[dreg:$0xb] =	wrdreg s17  }
0xd: {  	s25 =	simm.s32 $0x8080;
	s28 =	simm.s32 $0xE880;
	[dreg:$0xc] =	wrdreg s18  }
0xe: {  	s29 =	simm.s32 $0xF080;
	s30 =	simm.s32 $0xF880;
	[dreg:$0xd] =	wrdreg s19  }
0xf: {  	s31 =	simm.s32 $0x1;
	s4 =	sand.u32 $0x1, s4;
	[dreg:$0xe] =	wrdreg s20  }
0x10: {  	s5 =	sshll.u32 s7, $0x10;
	s7 =	sshll.u32 s7, $0x8;
	[dreg:$0xf] =	wrdreg s21  }
0x11: {  	s6 =	ssub.s32 $0x2, s4;
	s2 =	sadd.s32 s5, s2;
	[dreg:$0x10] =	wrdreg s22  }
0x12: {  	s9 =	sshll.u32 s4, $0x7;
	s8 =	sadd.s32 $0x400, s1;
	[dreg:$0x11] =	wrdreg s23  }
0x13: {  	s10 =	sadd.s32 $0x600, s1;
	s11 =	sadd.s32 $0x700, s1;
	[dreg:$0x12] =	wrdreg s24  }
0x14: {  	s4 =	sshll.u32 s4, $0xF;
	s14 =	simm.s32 $0x2;
	[dreg:$0x13] =	wrdreg s25  }
0x15: {  	s15 =	simm.s32 $0x80;
	s16 =	simm.s32 $0x9080;
	s17 =	simm.s32 $0x9880  }
0x16: {  	s18 =	simm.s32 $0xA080;
	s19 =	simm.s32 $0xA880;
	s20 =	simm.s32 $0xB080  }
0x17: {  	s21 =	simm.s32 $0xB880;
	s22 =	simm.s32 $0xC080;
	s23 =	simm.s32 $0xC880  }
0x18: {  	s24 =	simm.s32 $0xD080;
	s25 =	simm.s32 $0xD880;
	s26 =	sshrl.u32 s6, $0x1  }
0x19: {  	s5 =	sor.u32 s9, s7;
	s7 =	sadd.s32 $0x300, s1;
	s2 =	sadd.s32 s4, s2  }
0x1a: {  	s9 =	sadd.s32 $0x500, s1;
	s12 =	ssub.s32 s6, s26;
	s2 =	sadd.s32 $0x1C00, s2  }
0x1b: {  	s5 =	sshrl.u32 s5, $0x3;
	s26 =	simm.s32 $0x8880;
	[dreg:$0x17] =	wrdreg s2  }
0x1c: {  	v2 =	vlaneseq.u32;
	s6 =	sadd.s32 $0x200, s1;
	s0 =	sadd.s32 s0, s5;
	[dreg:$0x14] =	wrdreg s26  }
0x1d: {  	vm0 =	vmmov $0xffff;
	v1 =	vshrl.u32 v2, $0x3;
	s5 =	sadd.s32 $0x100, s1;
	s12 =	smax.u32 s12, $0x1;
	[dreg:$0x15] =	wrdreg s0  }
0x1e: {  	v0 =	vand.u32 $0x7, v2;
	v2 =	vor.u32 $0x8, v2;
	v1 =	vmul.u32 $0x8, v1;
	s26 =	simm.s32 $0xE080;
	s2 =	simm.s32 $0x0;
	[dreg:$0x16] =	wrdreg s12  }
.LBB2_1:
0x1f: {  	[dreg:$0x18] =	wrdreg s2  }
0x20: {  	s0 =	rddreg [dreg:$0x15]  }
0x21: {  	[tilespmem:s3], [sflag:$0x2] =	stream.linear.gather [hbm4b:s0+s3], $0x80, $0x38;
	[tilespmem:$0x10080] =	vst v63  }
0x22: {  	_ =	swait.ge [sflag:s14], $0x80  }
0x23: {  	[sflag:s14] =	ssyncset.done $0x0  }
0x24: {  	s4 =	simm.s32 $0x0;
	s13 =	rddreg [dreg:$0x17];
	[sflag:s14] =	ssyncadd.s32 $0xFFFFFF80  }
.LBB2_2:
0x25: {  	s12 =	sshra.s32 s4, $0x2  }
0x26: {  	v3 =	vld [tilespmem:s12+$0x0];
	_ =	sdelay $0x4  }
0x27: {  	v4 =	vshll.u32 v3, $0x4  }
0x28: {  	v3 =	vand.u32 $0x7, v3;
	v4 =	vand.u32 $0xFFFFFF80, v4  }
0x29: {  	v3 =	vor.u32 v3, v4  }
0x2a: {  	v4 =	vperm.xlane v3, v0;
	_ =	sdelay $0x1  }
0x2b: {  	v4 =	vadd.s32 v1, v4;
	_ =	sdelay $0x4  }
0x2c: {  	[tilespmem:s15], [sflag:$0x1] =	stream.indirect_vreg.gather [hbm4b:s1+s3], $0x80, v4, vm0, $0xb8;
	[tilespmem:$0x10080] =	vst v63  }
0x2d: {  	s2 =	rddreg [dreg:$0x4]  }
0x2e: {  	[tilespmem:s2], [sflag:$0x1] =	stream.indirect_vreg.gather [hbm4b:s5+s3], $0x80, v4, vm0, $0xb8;
	[tilespmem:$0x10080] =	vst v63  }
0x2f: {  	s0 =	rddreg [dreg:$0x5]  }
0x30: {  	[tilespmem:s0], [sflag:$0x1] =	stream.indirect_vreg.gather [hbm4b:s6+s3], $0x80, v4, vm0, $0xb8;
	[tilespmem:$0x10080] =	vst v63  }
0x31: {  	s2 =	rddreg [dreg:$0x6]  }
0x32: {  	[tilespmem:s2], [sflag:$0x1] =	stream.indirect_vreg.gather [hbm4b:s7+s3], $0x80, v4, vm0, $0xb8;
	[tilespmem:$0x10080] =	vst v63  }
0x33: {  	s0 =	rddreg [dreg:$0x7]  }
0x34: {  	[tilespmem:s0], [sflag:$0x1] =	stream.indirect_vreg.gather [hbm4b:s8+s3], $0x80, v4, vm0, $0xb8;
	[tilespmem:$0x10080] =	vst v63  }
0x35: {  	v3 =	vperm.xlane v3, v2;
	s2 =	rddreg [dreg:$0x8]  }
0x36: {  	[tilespmem:s2], [sflag:$0x1] =	stream.indirect_vreg.gather [hbm4b:s9+s3], $0x80, v4, vm0, $0xb8;
	[tilespmem:$0x10080] =	vst v63  }
0x37: {  	v3 =	vadd.s32 v1, v3;
	s0 =	rddreg [dreg:$0x9]  }
0x38: {  	[tilespmem:s0], [sflag:$0x1] =	stream.indirect_vreg.gather [hbm4b:s10+s3], $0x80, v4, vm0, $0xb8;
	[tilespmem:$0x10080] =	vst v63  }
0x39: {  	s2 =	rddreg [dreg:$0xa]  }
0x3a: {  	[tilespmem:s2], [sflag:$0x1] =	stream.indirect_vreg.gather [hbm4b:s11+s3], $0x80, v4, vm0, $0xb8;
	[tilespmem:$0x10080] =	vst v63  }
0x3b: {  	s0 =	rddreg [dreg:$0xb]  }
0x3c: {  	[tilespmem:s0], [sflag:$0x1] =	stream.indirect_vreg.gather [hbm4b:s1+s3], $0x80, v3, vm0, $0xb8;
	[tilespmem:$0x10080] =	vst v63  }
0x3d: {  	s2 =	rddreg [dreg:$0xc]  }
0x3e: {  	[tilespmem:s2], [sflag:$0x1] =	stream.indirect_vreg.gather [hbm4b:s5+s3], $0x80, v3, vm0, $0xb8;
	[tilespmem:$0x10080] =	vst v63  }
0x3f: {  	s0 =	rddreg [dreg:$0xd]  }
0x40: {  	[tilespmem:s0], [sflag:$0x1] =	stream.indirect_vreg.gather [hbm4b:s6+s3], $0x80, v3, vm0, $0xb8;
	[tilespmem:$0x10080] =	vst v63  }
0x41: {  	s2 =	rddreg [dreg:$0xe]  }
0x42: {  	[tilespmem:s2], [sflag:$0x1] =	stream.indirect_vreg.gather [hbm4b:s7+s3], $0x80, v3, vm0, $0xb8;
	[tilespmem:$0x10080] =	vst v63  }
0x43: {  	s0 =	rddreg [dreg:$0xf]  }
0x44: {  	[tilespmem:s0], [sflag:$0x1] =	stream.indirect_vreg.gather [hbm4b:s8+s3], $0x80, v3, vm0, $0xb8;
	[tilespmem:$0x10080] =	vst v63  }
0x45: {  	s2 =	rddreg [dreg:$0x10]  }
0x46: {  	[tilespmem:s2], [sflag:$0x1] =	stream.indirect_vreg.gather [hbm4b:s9+s3], $0x80, v3, vm0, $0xb8;
	[tilespmem:$0x10080] =	vst v63  }
0x47: {  	s0 =	rddreg [dreg:$0x11]  }
0x48: {  	[tilespmem:s0], [sflag:$0x1] =	stream.indirect_vreg.gather [hbm4b:s10+s3], $0x80, v3, vm0, $0xb8;
	[tilespmem:$0x10080] =	vst v63  }
0x49: {  	s2 =	rddreg [dreg:$0x12]  }
0x4a: {  	[tilespmem:s2], [sflag:$0x1] =	stream.indirect_vreg.gather [hbm4b:s11+s3], $0x80, v3, vm0, $0xb8;
	[tilespmem:$0x10080] =	vst v63  }
0x4b: {  	v3 =	vld [tilespmem:s12+$0x10];
	_ =	sdelay $0x4  }
0x4c: {  	v63 =	vshll.u32 v3, $0x4  }
0x4d: {  	v3 =	vand.u32 $0x7, v3;
	v4 =	vand.u32 $0xFFFFFF80, v63  }
0x4e: {  	v3 =	vor.u32 v3, v4  }
0x4f: {  	v4 =	vperm.xlane v3, v0;
	_ =	sdelay $0x1  }
0x50: {  	v4 =	vadd.s32 v1, v4;
	_ =	sdelay $0x3  }
0x51: {  	s2 =	rddreg [dreg:$0x13]  }
0x52: {  	[tilespmem:s2], [sflag:$0x1] =	stream.indirect_vreg.gather [hbm4b:s1+s3], $0x80, v4, vm0, $0xb8;
	[tilespmem:$0x10080] =	vst v63  }
0x53: {  	s12 =	rddreg [dreg:$0x14]  }
0x54: {  	[tilespmem:s12], [sflag:$0x1] =	stream.indirect_vreg.gather [hbm4b:s5+s3], $0x80, v4, vm0, $0xb8;
	[tilespmem:$0x10080] =	vst v63  }
0x55: {  	_ = 	snop  }
0x56: {  	[tilespmem:s16], [sflag:$0x1] =	stream.indirect_vreg.gather [hbm4b:s6+s3], $0x80, v4, vm0, $0xb8;
	[tilespmem:$0x10080] =	vst v63  }
0x57: {  	_ = 	snop  }
0x58: {  	[tilespmem:s17], [sflag:$0x1] =	stream.indirect_vreg.gather [hbm4b:s7+s3], $0x80, v4, vm0, $0xb8;
	[tilespmem:$0x10080] =	vst v63  }
0x59: {  	_ = 	snop  }
0x5a: {  	[tilespmem:s18], [sflag:$0x1] =	stream.indirect_vreg.gather [hbm4b:s8+s3], $0x80, v4, vm0, $0xb8;
	[tilespmem:$0x10080] =	vst v63  }
0x5b: {  	v3 =	vperm.xlane v3, v2  }
0x5c: {  	[tilespmem:s19], [sflag:$0x1] =	stream.indirect_vreg.gather [hbm4b:s9+s3], $0x80, v4, vm0, $0xb8;
	[tilespmem:$0x10080] =	vst v63  }
0x5d: {  	v3 =	vadd.s32 v1, v3  }
0x5e: {  	[tilespmem:s20], [sflag:$0x1] =	stream.indirect_vreg.gather [hbm4b:s10+s3], $0x80, v4, vm0, $0xb8;
	[tilespmem:$0x10080] =	vst v63  }
0x5f: {  	_ = 	snop  }
0x60: {  	[tilespmem:s21], [sflag:$0x1] =	stream.indirect_vreg.gather [hbm4b:s11+s3], $0x80, v4, vm0, $0xb8;
	[tilespmem:$0x10080] =	vst v63  }
0x61: {  	_ = 	snop  }
0x62: {  	[tilespmem:s22], [sflag:$0x1] =	stream.indirect_vreg.gather [hbm4b:s1+s3], $0x80, v3, vm0, $0xb8;
	[tilespmem:$0x10080] =	vst v63  }
0x63: {  	_ = 	snop  }
0x64: {  	[tilespmem:s23], [sflag:$0x1] =	stream.indirect_vreg.gather [hbm4b:s5+s3], $0x80, v3, vm0, $0xb8;
	[tilespmem:$0x10080] =	vst v63  }
0x65: {  	_ = 	snop  }
0x66: {  	[tilespmem:s24], [sflag:$0x1] =	stream.indirect_vreg.gather [hbm4b:s6+s3], $0x80, v3, vm0, $0xb8;
	[tilespmem:$0x10080] =	vst v63  }
0x67: {  	_ = 	snop  }
0x68: {  	[tilespmem:s25], [sflag:$0x1] =	stream.indirect_vreg.gather [hbm4b:s7+s3], $0x80, v3, vm0, $0xb8;
	[tilespmem:$0x10080] =	vst v63  }
0x69: {  	_ = 	snop  }
0x6a: {  	[tilespmem:s26], [sflag:$0x1] =	stream.indirect_vreg.gather [hbm4b:s8+s3], $0x80, v3, vm0, $0xb8;
	[tilespmem:$0x10080] =	vst v63  }
0x6b: {  	_ = 	snop  }
0x6c: {  	[tilespmem:s28], [sflag:$0x1] =	stream.indirect_vreg.gather [hbm4b:s9+s3], $0x80, v3, vm0, $0xb8;
	[tilespmem:$0x10080] =	vst v63  }
0x6d: {  	_ = 	snop  }
0x6e: {  	[tilespmem:s29], [sflag:$0x1] =	stream.indirect_vreg.gather [hbm4b:s10+s3], $0x80, v3, vm0, $0xb8;
	[tilespmem:$0x10080] =	vst v63  }
0x6f: {  	_ = 	snop  }
0x70: {  	[tilespmem:s30], [sflag:$0x1] =	stream.indirect_vreg.gather [hbm4b:s11+s3], $0x80, v3, vm0, $0xb8;
	[tilespmem:$0x10080] =	vst v63  }
0x71: {  	_ =	swait.ge [sflag:s31], $0x10000  }
0x72: {  	p0 =	sne.s32 s4, $0x180;
	[sflag:s31] =	ssyncset.done $0x0  }
.Ltmp0:
0x73: {  	[sflag:s31] =	ssyncadd.s32 $0xFFFF0000;
	(pc) =	sbr.rel @p0 .LBB2_2-.Ltmp0, $4  }
0x74: {  	[hbm4b:s13+s3] =	stream.linear.scatter [tilespmem:s15], [sflag:$0x2], $0x10000, $0x38;
	[tilespmem:$0x10080] =	vst v63  }
0x75: {  	_ =	swait.ge [sflag:s14], $0x10000  }
0x76: {  	[sflag:s14] =	ssyncset.done $0x0  }
0x77: {  	s4 =	sadd.s32 $0x80, s4;
	s13 =	sadd.s32 $0x2000, s13;
	[sflag:s14] =	ssyncadd.s32 $0xFFFF0000  }
0x78: {  	s2 =	rddreg [dreg:$0x18]  }
0x79: {  	s0 =	rddreg [dreg:$0x16];
	s2 =	sadd.s32 $0x1, s2  }
0x7a: {  	p0 =	sne.s32 s2, s0  }
.Ltmp1:
0x7b: {  	_ = 	snop;
	(pc) =	sbr.rel @p0 .LBB2_1-.Ltmp1, $1  }
0x7c: {  	_ =	sdelay $0x3  }
0x7d: {  	_ =	sfence.sel $0x180000  }
0x7e: {  	[bflag:$0x0] =	sbarrier.arrive $0xFFFF  }
0x7f: {  	_ =	strace $0x90000047  }
0x80: {  	s0 =	stileid.u32;
	[bflag:$0x2] =	sbarrier.arrive $0xFFFF  }
0x81: {  	p0 =	sne.s32 s0, $0x0;
	s0 =	rddreg [dreg:$0x3]  }
0x82: {  	s0 =	sadd.s32 @!p0 $0x100000, s0  }
0x83: {  	[sflag:s0] =	ssyncadd.tile.s32 @!p0 $0x1;
	_ =	shalt  }
.Lfunc_end2:
_tile_overlayer_lowered:
.L_overlay_start_2:
0x84: {  	(tag) =	ssettag $0x2  }
0x85: {  	s0 =	rddreg [dreg:$0x0];
	s2 =	stileid.u32  }
0x86: {  	s1 =	rddreg [dreg:$0x1];
	p0 =	sne.s32 s2, $0x0  }
0x87: {  	s3 =	rddreg [dreg:$0x2];
	[bflag:$0x3] =	sbarrier.arrive $0xFFFF;
	s2 =	simm.s32 @!p0 $0x1C02  }
0x88: {  	[timem:s3], [sflag:s2] =	dma.local @!p0 [hbm:s0], s1  }
0x89: {  	s0 =	simm.s32 @!p0 $0x2  }
0x8a: {  	_ =	swait.ge @!p0 [sflag:s0], s1  }
0x8b: {  	s1 =	ssub.s32 @!p0 $0x0, s1;
	[sflag:s0] =	ssyncset.done @!p0 $0x0  }
0x8c: {  	[sflag:s0] =	ssyncadd.s32 @!p0 s1  }
0x8d: {  	[bflag:$0x3] =	sbarrier.arrive $0xFFFF  }
0x8e: {  	_ =	shalt  }

// kernel: kernel.13.cloned.1.call-start
scs
__scs_entry_jumppad:
0x0: {  	(pc) =	sbr.rel $0x88, $3  }
0x1: {  	(tag) =	ssettag $0x0;
	lr =	simm.s32 $0x1  }
0x2: {  	[smem:$0x3F9C] =	sst lr;
	_ =	strace $0xD0000000  }
0x3: {  	_ = 	snop  }
0x4: {  	_ = 	snop  }
0x5: {  	_ = 	snop  }
0x6: {  	_ = 	snop  }
0x7: {  	_ = 	snop  }
__scs_overlays_trampoline_lowered:
0x8: {  	[smem:$0x3FAB] =	sst s0  }
0x9: {  	[smem:$0x3FAC] =	sst s1  }
0xa: {  	[smem:$0x3FAD] =	sst s2  }
0xb: {  	[smem:$0x3FAE] =	sst s3  }
0xc: {  	[smem:$0x3FAF] =	sst s4  }
0xd: {  	[smem:$0x3FB0] =	sst s5  }
0xe: {  	[smem:$0x3FB1] =	sst s6  }
0xf: {  	[smem:$0x3FB2] =	sst s7  }
0x10: {  	[smem:$0x3FB3] =	sst s8  }
0x11: {  	[smem:$0x3FB4] =	sst s9;
	s0 =	simm.s32 @!p0 $0x0  }
0x12: {  	s1 =	sld [smem:$0x3F9A];
	s0 =	simm.s32 @p0 $0x1  }
0x13: {  	[smem:$0x3FB5] =	sst s0;
	s0 =	simm.s32 @!p1 $0x0  }
0x14: {  	s2 =	sld [smem:$0x3F99];
	s0 =	simm.s32 @p1 $0x1  }
0x15: {  	[smem:$0x3FB6] =	sst s0;
	s0 =	simm.s32 @!p2 $0x0  }
0x16: {  	s3 =	sld [smem:$0x3FDB];
	s0 =	simm.s32 @p2 $0x1  }
0x17: {  	s4 =	simm.s32 $0x1BF5;
	[smem:$0x3FB8] =	sst s0  }
0x18: {  	s0 =	sld [smem:$0x3F9B];
	_ =	swait.ge [sflag:s4], $0x0  }
0x19: {  	s7 =	sld [smem:$0x3F9C]  }
0x1a: {  	s8 =	sadd.s32 $0xFFFFE003, lr  }
0x1b: {  	s9 =	sadd.s32 $0xFFFFFEF7, lr;
	s5 =	simm.s32 $0xFFFFFFFF;
	p2 =	slt.u32 s8, $0xFFFFF086  }
0x1c: {  	p1 =	slt.u32 s9, $0xF7A;
	s5 =	simm.s32 @!p2 $0x0  }
0x1d: {  	s5 =	simm.s32 @p1 $0x1;
	p0 =	seq.s32 s7, s2  }
0x1e: {  	s7 =	smul.u32 @!p0 $0xF7A, s2;
	p2 =	seq.s32 @!p0 s5, $0x0  }
0x1f: {  	s9 =	smul.u32 $0xF7A, s1;
	s8 =	simm.s32 @!p0 $0x1BF5;
	p2 =	por !p2, p0  }
0x20: {  	[sflag:s8] =	ssyncset.s32 @!p0 $0xFFFFF086;
	s6 =	sadd.s32 @!p0 s3, s7;
	s7 =	simm.s32 @!p0 $0x108  }
0x21: {  	s3 =	sadd.s32 s3, s9;
	s6 =	sadd.s32 @!p0 $0x88, s6;
	s7 =	simm.s32 @p2 $0x1082  }
0x22: {  	[simem:s7], [sflag:s8] =	dma.local @!p0 [hbm:s6], $0xF7A  }
0x23: {  	s9 =	sor.u32 $0xD0000000, s2;
	s6 =	simm.s32 $0x108;
	_ =	swait.ge @!p0 [sflag:s8], $0x0  }
0x24: {  	s3 =	sadd.s32 $0x88, s3;
	s6 =	simm.s32 @!p1 $0x1082;
	[sflag:s4] =	ssyncset.s32 $0xFFFFF086  }
0x25: {  	[simem:s6], [sflag:s4] =	dma.local [hbm:s3], $0xF7A  }
0x26: {  	[smem:$0x3F9C] =	sst s1;
	(tag) =	ssettag s2;
	_ =	strace s9  }
0x27: {  	s1 =	sld [smem:$0x3FAC]  }
0x28: {  	s2 =	sld [smem:$0x3FAD]  }
0x29: {  	s4 =	sld [smem:$0x3FAF]  }
0x2a: {  	p0 =	seq.s32 s5, $0x0;
	s5 =	sld [smem:$0x3FB0]  }
0x2b: {  	s6 =	sld [smem:$0x3FB1]  }
0x2c: {  	s7 =	sld [smem:$0x3FB2]  }
0x2d: {  	s3 =	simm.s32 $0x108;
	s8 =	sld [smem:$0x3FB3]  }
0x2e: {  	s3 =	simm.s32 @!p0 $0x1082;
	s9 =	sld [smem:$0x3FB4]  }
0x2f: {  	lr =	sadd.s32 s0, s3;
	s0 =	sld [smem:$0x3FAB]  }
0x30: {  	s3 =	sld [smem:$0x3FAE]  }
0x31: {  	[smem:$0x3FB7] =	sst s10  }
0x32: {  	s10 =	sld [smem:$0x3FB5];
	_ =	sdelay $0x3  }
0x33: {  	p0 =	seq.s32 s10, $0x1;
	s10 =	sld [smem:$0x3FB7];
	_ =	sdelay $0x3  }
0x34: {  	[smem:$0x3FB7] =	sst s10  }
0x35: {  	s10 =	sld [smem:$0x3FB6];
	_ =	sdelay $0x3  }
0x36: {  	p1 =	seq.s32 s10, $0x1;
	s10 =	sld [smem:$0x3FB7];
	_ =	sdelay $0x3  }
0x37: {  	[smem:$0x3FB7] =	sst s10  }
0x38: {  	s10 =	sld [smem:$0x3FB8]  }
0x39: {  	_ = 	snop;
	(pc) =	sbr.ind lr, $3  }
0x3a: {  	_ = 	snop  }
0x3b: {  	_ = 	snop  }
0x3c: {  	p2 =	seq.s32 s10, $0x1;
	s10 =	sld [smem:$0x3FB7]  }
0x3d: {  	_ =	shalt  }
0x3e: {  	_ =	shalt  }
0x3f: {  	_ =	shalt  }
0x40: {  	_ =	shalt  }
0x41: {  	_ =	shalt  }
0x42: {  	_ =	shalt  }
0x43: {  	_ =	shalt  }
0x44: {  	_ =	shalt  }
0x45: {  	_ =	shalt  }
0x46: {  	_ =	shalt  }
0x47: {  	_ =	shalt  }
0x48: {  	_ =	shalt  }
0x49: {  	_ =	shalt  }
0x4a: {  	_ =	shalt  }
0x4b: {  	_ =	shalt  }
0x4c: {  	_ =	shalt  }
0x4d: {  	_ =	shalt  }
0x4e: {  	_ =	shalt  }
0x4f: {  	_ =	shalt  }
0x50: {  	_ =	shalt  }
0x51: {  	_ =	shalt  }
0x52: {  	_ =	shalt  }
0x53: {  	_ =	shalt  }
0x54: {  	_ =	shalt  }
0x55: {  	_ =	shalt  }
0x56: {  	_ =	shalt  }
0x57: {  	_ =	shalt  }
0x58: {  	_ =	shalt  }
0x59: {  	_ =	shalt  }
0x5a: {  	_ =	shalt  }
0x5b: {  	_ =	shalt  }
0x5c: {  	_ =	shalt  }
0x5d: {  	_ =	shalt  }
0x5e: {  	_ =	shalt  }
0x5f: {  	_ =	shalt  }
0x60: {  	_ =	shalt  }
0x61: {  	_ =	shalt  }
0x62: {  	_ =	shalt  }
0x63: {  	_ =	shalt  }
0x64: {  	_ =	shalt  }
0x65: {  	_ =	shalt  }
0x66: {  	_ =	shalt  }
0x67: {  	_ =	shalt  }
0x68: {  	_ =	shalt  }
0x69: {  	_ =	shalt  }
0x6a: {  	_ =	shalt  }
0x6b: {  	_ =	shalt  }
0x6c: {  	_ =	shalt  }
0x6d: {  	_ =	shalt  }
0x6e: {  	_ =	shalt  }
0x6f: {  	_ =	shalt  }
0x70: {  	_ =	shalt  }
0x71: {  	_ =	shalt  }
0x72: {  	_ =	shalt  }
0x73: {  	_ =	shalt  }
0x74: {  	_ =	shalt  }
0x75: {  	_ =	shalt  }
0x76: {  	_ =	shalt  }
0x77: {  	_ =	shalt  }
0x78: {  	_ =	shalt  }
0x79: {  	_ =	shalt  }
0x7a: {  	_ =	shalt  }
0x7b: {  	_ =	shalt  }
0x7c: {  	_ =	shalt  }
0x7d: {  	_ =	shalt  }
0x7e: {  	_ =	shalt  }
0x7f: {  	_ =	shalt  }
0x80: {  	_ =	shalt  }
0x81: {  	_ =	shalt  }
0x82: {  	_ =	shalt  }
0x83: {  	_ =	shalt  }
0x84: {  	_ =	shalt  }
0x85: {  	_ =	shalt  }
0x86: {  	_ =	shalt  }
0x87: {  	_ =	shalt  }
.Lfunc_end0:
.L_simem_size_0:
called_computation.1_lowered:
.L_overlay_start_0:
0x88: {  	s2 =	sld [smem:$0x3FD9]  }
0x89: {  	s3 =	sld [smem:$0x3FFE];
	_ =	sdelay $0x1  }
0x8a: {  	s1 =	srdreg.scid  }
0x8b: {  	s0 =	sand.u32 $0x1, s1  }
0x8c: {  	s17 =	sshll.u32 s0, $0xA;
	s2 =	sadd.s32 s3, s2  }
0x8d: {  	s2 =	sadd.s32 s2, s17  }
0x8e: {  	[smem:$0x3FC3] =	sst s2  }
0x8f: {  	_ = 	snop  }
0x90: {  	s18 =	sld [smem:$0x3FC7];
	(tm) =	ssettm $0x1  }
0x91: {  	s19 =	sld [smem:$0x3FFB];
	_ =	sdelay $0x3  }
0x92: {  	_ =	strace s19  }
0x93: {  	s2 =	sld [smem:$0x3FFC];
	_ =	sdelay $0x3  }
0x94: {  	_ =	strace s2  }
0x95: {  	s2 =	sld [smem:$0x3FFD];
	_ =	sdelay $0x3  }
0x96: {  	_ =	strace s2  }
0x97: {  	_ =	strace $0x8FFFFFFF  }
0x98: {  	s20 =	sld [smem:$0x3FDB];
	_ =	sdelay $0x1  }
0x99: {  	s4 =	simm.s32 $_scs_section_size  }
0x9a: {  	s5 =	simm.s32 $_size__tile_overlayer_lowered;
	s6 =	simm.s32 $_tile_overlayer_lowered  }
0x9b: {  	s7 =	simm.s32 $0x1BFF;
	s21 =	sshll.u32 s6, $0x1;
	s4 =	sadd.s32 s4, s20  }
0x9c: {  	s22 =	simm.s32 $0x0;
	s5 =	sshll.u32 s5, $0x1;
	s6 =	sadd.s32 s21, s4  }
0x9d: {  	[timem:s22], [sflag:s7] =	dma.local [hbm:s6], s5  }
0x9e: {  	_ =	swait.ge [sflag:s7], s5  }
0x9f: {  	s5 =	ssub.s32 $0x0, s5;
	[sflag:s7] =	ssyncset.done $0x0  }
0xa0: {  	[sflag:s7] =	ssyncadd.s32 s5;
	_ =	sdelay $0x1  }
0xa1: {  	s23 =	simm.s32 $0x1B8B  }
0xa2: {  	_ =	swait.ge [sflag:s23], $0x1  }
0xa3: {  	[sflag:s23] =	ssyncset.done $0x0  }
0xa4: {  	[sflag:s23] =	ssyncadd.s32 $0xFFFFFFFF  }
0xa5: {  	s5 =	sld [smem:$0x0]  }
0xa6: {  	s6 =	sand.u32 $0xFFFFFFFE, s1  }
0xa7: {  	p0 =	sne.s32 s1, s6  }
0xa8: {  	s6 =	sshll.u32 @p0 s6, $0xE  }
0xa9: {  	s6 =	sadd.s32 @p0 $0x11B8D, s6;
	s7 =	sshll.u32 @p0 s5, $0x11  }
0xaa: {  	s6 =	sor.u32 @p0 s7, s6  }
0xab: {  	[sflag:s6] =	ssyncadd.remote.s32 @p0 $0x1;
	_ =	sdelay $0x1  }
0xac: {  	s6 =	simm.s32 @p0 $0x1B8D  }
0xad: {  	_ =	swait.eq @p0 [sflag:s6], $0x1  }
0xae: {  	[sflag:s6] =	ssyncadd.s32 @p0 $0xFFFFFFFF  }
0xaf: {  	s7 =	sshll.u32 @!p0 s1, $0xE  }
0xb0: {  	s7 =	sor.u32 @!p0 $0x4000, s7;
	s6 =	simm.s32 @!p0 $0x1B8D  }
0xb1: {  	s5 =	sshll.u32 @!p0 s5, $0x11;
	s7 =	sadd.s32 @!p0 $0x11B8D, s7;
	_ =	swait.eq @!p0 [sflag:s6], $0x1  }
0xb2: {  	s5 =	sor.u32 @!p0 s5, s7;
	[sflag:s6] =	ssyncadd.s32 @!p0 $0xFFFFFFFF  }
0xb3: {  	s25 =	simm.s32 $0x1B8E;
	s24 =	sld [smem:$0x3FFE];
	[sflag:s5] =	ssyncadd.remote.s32 @!p0 $0x1  }
0xb4: {  	s26 =	simm.s32 $execute0_lowered;
	[smem:$0x3FD2] =	sst s25  }
0xb5: {  	s6 =	sshll.u32 s26, $0x1;
	_ =	strace $0x80000049;
	[dreg:$0x1] =	wrdreg $0xFFFFFFFF  }
0xb6: {  	s28 =	simm.s32 $_size_execute0_lowered;
	s4 =	sadd.s32 s4, s6;
	[dreg:$0x0] =	wrdreg $0x0  }
0xb7: {  	s6 =	sshll.u32 s28, $0x1;
	[dreg:$0x2] =	wrdreg s4  }
0xb8: {  	[dreg:$0x3] =	wrdreg s6  }
0xb9: {  	[dreg:$0x4] =	wrdreg $0xC0  }
0xba: {  	_ =	task [dreg:s22], $0x5FFFF  }
0xbb: {  	[dreg:$0x1] =	wrdreg $0xFFFFFFFF  }
0xbc: {  	[dreg:$0x0] =	wrdreg $0x60  }
0xbd: {  	[dreg:$0x2] =	wrdreg s18  }
0xbe: {  	[dreg:$0x3] =	wrdreg s24  }
0xbf: {  	[dreg:$0x4] =	wrdreg $0xA  }
0xc0: {  	_ =	task.clear_ibuf [dreg:s22], $0x5FFFF;
	_ =	strace $0x90000049  }
0xc1: {  	s29 =	simm.s32 $0xA;
	_ =	strace $0x8000004B  }
0xc2: {  	_ =	swait.ge [sflag:s29], $0x1  }
0xc3: {  	[sflag:s29] =	ssyncadd.s32 $0xFFFFFFFF  }
0xc4: {  	_ =	strace $0x9000004B  }
0xc5: {  	_ =	sfence  }
0xc6: {  	s30 =	sld [smem:$0x0];
	_ =	sdelay $0x2  }
0xc7: {  	s31 =	sshll.u32 s1, $0xD;
	s1 =	sshrl.u32 s1, $0x2  }
0xc8: {  	s4 =	sand.u32 $0x4000, s31;
	s1 =	sadd.s32 s1, s30  }
0xc9: {  	s0 =	sor.u32 s4, s0;
	s1 =	sshll.u32 s1, $0x11  }
0xca: {  	s0 =	sor.u32 s1, s0  }
0xcb: {  	s0 =	sadd.s32 $0x8F2B, s0  }
0xcc: {  	[sflag:s0] =	ssyncadd.remote.s32 $0x1  }
0xcd: {  	_ =	sfence.sel $0xFFFF  }
0xce: {  	[dreg:$0x0] =	wrdreg $0xFFFFFFFF;
	(pc) =	sbr.abs _section_cstart, $3  }
0xcf: {  	[dreg:$0x1] =	wrdreg $0xFFFFFFFF  }
0xd0: {  	_ =	task.clear_ibuf [dreg:s22], $0x2FFFF;
	_ =	strace $0x9FFFFFFF  }
0xd1: {  	(tm) =	ssettm $0x7FFFFFFF  }
tec
execute0_lowered:
.L_overlay_start_1:
0x0: {  	(tag) =	ssettag $0x1  }
0x1: {  	s2 =	rddreg [dreg:$0x0]  }
0x2: {  	s0 =	rddreg [dreg:$0x1];
	s1 =	srdreg.scid;
	s3 =	simm.s32 $0x0  }
0x3: {  	s6 =	stileid.u32;
	s8 =	simm.s32 $0x880;
	[smem:$0x7FF] =	sst s3  }
0x4: {  	s10 =	simm.s32 $0x1080;
	_ =	strace $0x8000004A;
	[dreg:$0x3] =	wrdreg s8  }
0x5: {  	s11 =	simm.s32 $0x1880;
	s13 =	simm.s32 $0x2080;
	[dreg:$0x4] =	wrdreg s10  }
0x6: {  	s14 =	simm.s32 $0x2880;
	s15 =	simm.s32 $0x3080;
	[dreg:$0x5] =	wrdreg s11  }
0x7: {  	s16 =	simm.s32 $0x3880;
	s17 =	simm.s32 $0x4080;
	[dreg:$0x6] =	wrdreg s13  }
0x8: {  	s18 =	simm.s32 $0x4880;
	s19 =	simm.s32 $0x5080;
	[dreg:$0x7] =	wrdreg s14  }
0x9: {  	s20 =	simm.s32 $0x5880;
	s21 =	simm.s32 $0x6080;
	[dreg:$0x8] =	wrdreg s15  }
0xa: {  	s22 =	simm.s32 $0x6880;
	s23 =	simm.s32 $0x7080;
	[dreg:$0x9] =	wrdreg s16  }
0xb: {  	s24 =	simm.s32 $0x7880;
	s25 =	simm.s32 $0x8080;
	[dreg:$0xa] =	wrdreg s17  }
0xc: {  	s26 =	simm.s32 $0x8880;
	s28 =	simm.s32 $0xE880;
	[dreg:$0xb] =	wrdreg s18  }
0xd: {  	s29 =	simm.s32 $0xF080;
	s30 =	simm.s32 $0xF880;
	[dreg:$0xc] =	wrdreg s19  }
0xe: {  	s31 =	simm.s32 $0x1;
	s1 =	sand.u32 $0x1, s1;
	[dreg:$0xd] =	wrdreg s20  }
0xf: {  	s4 =	sshll.u32 s6, $0x8;
	s7 =	sshll.u32 s6, $0x10;
	[dreg:$0xe] =	wrdreg s21  }
0x10: {  	s6 =	sadd.s32 $0x200, s2;
	s5 =	sshll.u32 s1, $0x7;
	[dreg:$0xf] =	wrdreg s22  }
0x11: {  	s9 =	ssub.s32 $0x2, s1;
	s8 =	sadd.s32 $0x400, s2;
	[dreg:$0x10] =	wrdreg s23  }
0x12: {  	s10 =	sadd.s32 $0x600, s2;
	s11 =	sadd.s32 $0x700, s2;
	[dreg:$0x11] =	wrdreg s24  }
0x13: {  	s1 =	sshll.u32 s1, $0xF;
	s14 =	simm.s32 $0x2;
	[dreg:$0x12] =	wrdreg s25  }
0x14: {  	s15 =	simm.s32 $0x80;
	[dreg:$0x13] =	wrdreg s26;
	s16 =	simm.s32 $0x9080  }
0x15: {  	s17 =	simm.s32 $0x9880;
	s18 =	simm.s32 $0xA080;
	s19 =	simm.s32 $0xA880  }
0x16: {  	s20 =	simm.s32 $0xB080;
	s21 =	simm.s32 $0xB880;
	s22 =	simm.s32 $0xC080  }
0x17: {  	s23 =	simm.s32 $0xC880;
	s24 =	simm.s32 $0xD080;
	s4 =	sor.u32 s5, s4  }
0x18: {  	s25 =	simm.s32 $0xD880;
	s26 =	simm.s32 $0xE080;
	s4 =	sshrl.u32 s4, $0x3  }
0x19: {  	s4 =	sadd.s32 s4, s0;
	s0 =	sadd.s32 s7, s0;
	s7 =	sshrl.u32 s9, $0x1  }
0x1a: {  	s5 =	sadd.s32 $0x100, s2;
	s12 =	ssub.s32 s9, s7;
	s4 =	sadd.s32 $0x101C00, s4  }
0x1b: {  	v2 =	vlaneseq.u32;
	s0 =	sadd.s32 s1, s0;
	[dreg:$0x14] =	wrdreg s4;
	s12 =	smax.u32 s12, $0x1  }
0x1c: {  	vm0 =	vmmov $0xffff;
	v1 =	vshrl.u32 v2, $0x3;
	s7 =	sadd.s32 $0x300, s2;
	s0 =	sadd.s32 $0x102200, s0;
	[dreg:$0x15] =	wrdreg s12  }
0x1d: {  	v0 =	vand.u32 $0x7, v2;
	v2 =	vor.u32 $0x8, v2;
	v1 =	vmul.u32 $0x8, v1;
	s9 =	sadd.s32 $0x500, s2;
	s1 =	simm.s32 $0x0;
	[dreg:$0x16] =	wrdreg s0  }
.LBB2_1:
0x1e: {  	[dreg:$0x17] =	wrdreg s1  }
0x1f: {  	s0 =	rddreg [dreg:$0x14]  }
0x20: {  	[tilespmem:s3], [sflag:$0x2] =	stream.linear.gather [hbm4b:s0+s3], $0x80, $0x38;
	[tilespmem:$0x10080] =	vst v63  }
0x21: {  	_ =	swait.ge [sflag:s14], $0x80  }
0x22: {  	[sflag:s14] =	ssyncset.done $0x0  }
0x23: {  	s4 =	simm.s32 $0x0;
	s13 =	rddreg [dreg:$0x16];
	[sflag:s14] =	ssyncadd.s32 $0xFFFFFF80  }
.LBB2_2:
0x24: {  	s12 =	sshra.s32 s4, $0x2  }
0x25: {  	v3 =	vld [tilespmem:s12+$0x0];
	_ =	sdelay $0x4  }
0x26: {  	v4 =	vshll.u32 v3, $0x4  }
0x27: {  	v3 =	vand.u32 $0x7, v3;
	v4 =	vand.u32 $0xFFFFFF80, v4  }
0x28: {  	v3 =	vor.u32 v3, v4  }
0x29: {  	v4 =	vperm.xlane v3, v0;
	_ =	sdelay $0x1  }
0x2a: {  	v4 =	vadd.s32 v1, v4;
	_ =	sdelay $0x4  }
0x2b: {  	[tilespmem:s15], [sflag:$0x1] =	stream.indirect_vreg.gather [hbm4b:s2+s3], $0x80, v4, vm0, $0xb8;
	[tilespmem:$0x10080] =	vst v63  }
0x2c: {  	s1 =	rddreg [dreg:$0x3]  }
0x2d: {  	[tilespmem:s1], [sflag:$0x1] =	stream.indirect_vreg.gather [hbm4b:s5+s3], $0x80, v4, vm0, $0xb8;
	[tilespmem:$0x10080] =	vst v63  }
0x2e: {  	s0 =	rddreg [dreg:$0x4]  }
0x2f: {  	[tilespmem:s0], [sflag:$0x1] =	stream.indirect_vreg.gather [hbm4b:s6+s3], $0x80, v4, vm0, $0xb8;
	[tilespmem:$0x10080] =	vst v63  }
0x30: {  	s1 =	rddreg [dreg:$0x5]  }
0x31: {  	[tilespmem:s1], [sflag:$0x1] =	stream.indirect_vreg.gather [hbm4b:s7+s3], $0x80, v4, vm0, $0xb8;
	[tilespmem:$0x10080] =	vst v63  }
0x32: {  	s0 =	rddreg [dreg:$0x6]  }
0x33: {  	[tilespmem:s0], [sflag:$0x1] =	stream.indirect_vreg.gather [hbm4b:s8+s3], $0x80, v4, vm0, $0xb8;
	[tilespmem:$0x10080] =	vst v63  }
0x34: {  	v3 =	vperm.xlane v3, v2;
	s1 =	rddreg [dreg:$0x7]  }
0x35: {  	[tilespmem:s1], [sflag:$0x1] =	stream.indirect_vreg.gather [hbm4b:s9+s3], $0x80, v4, vm0, $0xb8;
	[tilespmem:$0x10080] =	vst v63  }
0x36: {  	v3 =	vadd.s32 v1, v3;
	s0 =	rddreg [dreg:$0x8]  }
0x37: {  	[tilespmem:s0], [sflag:$0x1] =	stream.indirect_vreg.gather [hbm4b:s10+s3], $0x80, v4, vm0, $0xb8;
	[tilespmem:$0x10080] =	vst v63  }
0x38: {  	s1 =	rddreg [dreg:$0x9]  }
0x39: {  	[tilespmem:s1], [sflag:$0x1] =	stream.indirect_vreg.gather [hbm4b:s11+s3], $0x80, v4, vm0, $0xb8;
	[tilespmem:$0x10080] =	vst v63  }
0x3a: {  	s0 =	rddreg [dreg:$0xa]  }
0x3b: {  	[tilespmem:s0], [sflag:$0x1] =	stream.indirect_vreg.gather [hbm4b:s2+s3], $0x80, v3, vm0, $0xb8;
	[tilespmem:$0x10080] =	vst v63  }
0x3c: {  	s1 =	rddreg [dreg:$0xb]  }
0x3d: {  	[tilespmem:s1], [sflag:$0x1] =	stream.indirect_vreg.gather [hbm4b:s5+s3], $0x80, v3, vm0, $0xb8;
	[tilespmem:$0x10080] =	vst v63  }
0x3e: {  	s0 =	rddreg [dreg:$0xc]  }
0x3f: {  	[tilespmem:s0], [sflag:$0x1] =	stream.indirect_vreg.gather [hbm4b:s6+s3], $0x80, v3, vm0, $0xb8;
	[tilespmem:$0x10080] =	vst v63  }
0x40: {  	s1 =	rddreg [dreg:$0xd]  }
0x41: {  	[tilespmem:s1], [sflag:$0x1] =	stream.indirect_vreg.gather [hbm4b:s7+s3], $0x80, v3, vm0, $0xb8;
	[tilespmem:$0x10080] =	vst v63  }
0x42: {  	s0 =	rddreg [dreg:$0xe]  }
0x43: {  	[tilespmem:s0], [sflag:$0x1] =	stream.indirect_vreg.gather [hbm4b:s8+s3], $0x80, v3, vm0, $0xb8;
	[tilespmem:$0x10080] =	vst v63  }
0x44: {  	s1 =	rddreg [dreg:$0xf]  }
0x45: {  	[tilespmem:s1], [sflag:$0x1] =	stream.indirect_vreg.gather [hbm4b:s9+s3], $0x80, v3, vm0, $0xb8;
	[tilespmem:$0x10080] =	vst v63  }
0x46: {  	s0 =	rddreg [dreg:$0x10]  }
0x47: {  	[tilespmem:s0], [sflag:$0x1] =	stream.indirect_vreg.gather [hbm4b:s10+s3], $0x80, v3, vm0, $0xb8;
	[tilespmem:$0x10080] =	vst v63  }
0x48: {  	s1 =	rddreg [dreg:$0x11]  }
0x49: {  	[tilespmem:s1], [sflag:$0x1] =	stream.indirect_vreg.gather [hbm4b:s11+s3], $0x80, v3, vm0, $0xb8;
	[tilespmem:$0x10080] =	vst v63  }
0x4a: {  	v3 =	vld [tilespmem:s12+$0x10];
	_ =	sdelay $0x4  }
0x4b: {  	v63 =	vshll.u32 v3, $0x4  }
0x4c: {  	v3 =	vand.u32 $0x7, v3;
	v4 =	vand.u32 $0xFFFFFF80, v63  }
0x4d: {  	v3 =	vor.u32 v3, v4  }
0x4e: {  	v4 =	vperm.xlane v3, v0;
	_ =	sdelay $0x1  }
0x4f: {  	v4 =	vadd.s32 v1, v4;
	_ =	sdelay $0x3  }
0x50: {  	s1 =	rddreg [dreg:$0x12]  }
0x51: {  	[tilespmem:s1], [sflag:$0x1] =	stream.indirect_vreg.gather [hbm4b:s2+s3], $0x80, v4, vm0, $0xb8;
	[tilespmem:$0x10080] =	vst v63  }
0x52: {  	s12 =	rddreg [dreg:$0x13]  }
0x53: {  	[tilespmem:s12], [sflag:$0x1] =	stream.indirect_vreg.gather [hbm4b:s5+s3], $0x80, v4, vm0, $0xb8;
	[tilespmem:$0x10080] =	vst v63  }
0x54: {  	_ = 	snop  }
0x55: {  	[tilespmem:s16], [sflag:$0x1] =	stream.indirect_vreg.gather [hbm4b:s6+s3], $0x80, v4, vm0, $0xb8;
	[tilespmem:$0x10080] =	vst v63  }
0x56: {  	_ = 	snop  }
0x57: {  	[tilespmem:s17], [sflag:$0x1] =	stream.indirect_vreg.gather [hbm4b:s7+s3], $0x80, v4, vm0, $0xb8;
	[tilespmem:$0x10080] =	vst v63  }
0x58: {  	_ = 	snop  }
0x59: {  	[tilespmem:s18], [sflag:$0x1] =	stream.indirect_vreg.gather [hbm4b:s8+s3], $0x80, v4, vm0, $0xb8;
	[tilespmem:$0x10080] =	vst v63  }
0x5a: {  	v3 =	vperm.xlane v3, v2  }
0x5b: {  	[tilespmem:s19], [sflag:$0x1] =	stream.indirect_vreg.gather [hbm4b:s9+s3], $0x80, v4, vm0, $0xb8;
	[tilespmem:$0x10080] =	vst v63  }
0x5c: {  	v3 =	vadd.s32 v1, v3  }
0x5d: {  	[tilespmem:s20], [sflag:$0x1] =	stream.indirect_vreg.gather [hbm4b:s10+s3], $0x80, v4, vm0, $0xb8;
	[tilespmem:$0x10080] =	vst v63  }
0x5e: {  	_ = 	snop  }
0x5f: {  	[tilespmem:s21], [sflag:$0x1] =	stream.indirect_vreg.gather [hbm4b:s11+s3], $0x80, v4, vm0, $0xb8;
	[tilespmem:$0x10080] =	vst v63  }
0x60: {  	_ = 	snop  }
0x61: {  	[tilespmem:s22], [sflag:$0x1] =	stream.indirect_vreg.gather [hbm4b:s2+s3], $0x80, v3, vm0, $0xb8;
	[tilespmem:$0x10080] =	vst v63  }
0x62: {  	_ = 	snop  }
0x63: {  	[tilespmem:s23], [sflag:$0x1] =	stream.indirect_vreg.gather [hbm4b:s5+s3], $0x80, v3, vm0, $0xb8;
	[tilespmem:$0x10080] =	vst v63  }
0x64: {  	_ = 	snop  }
0x65: {  	[tilespmem:s24], [sflag:$0x1] =	stream.indirect_vreg.gather [hbm4b:s6+s3], $0x80, v3, vm0, $0xb8;
	[tilespmem:$0x10080] =	vst v63  }
0x66: {  	_ = 	snop  }
0x67: {  	[tilespmem:s25], [sflag:$0x1] =	stream.indirect_vreg.gather [hbm4b:s7+s3], $0x80, v3, vm0, $0xb8;
	[tilespmem:$0x10080] =	vst v63  }
0x68: {  	_ = 	snop  }
0x69: {  	[tilespmem:s26], [sflag:$0x1] =	stream.indirect_vreg.gather [hbm4b:s8+s3], $0x80, v3, vm0, $0xb8;
	[tilespmem:$0x10080] =	vst v63  }
0x6a: {  	_ = 	snop  }
0x6b: {  	[tilespmem:s28], [sflag:$0x1] =	stream.indirect_vreg.gather [hbm4b:s9+s3], $0x80, v3, vm0, $0xb8;
	[tilespmem:$0x10080] =	vst v63  }
0x6c: {  	_ = 	snop  }
0x6d: {  	[tilespmem:s29], [sflag:$0x1] =	stream.indirect_vreg.gather [hbm4b:s10+s3], $0x80, v3, vm0, $0xb8;
	[tilespmem:$0x10080] =	vst v63  }
0x6e: {  	_ = 	snop  }
0x6f: {  	[tilespmem:s30], [sflag:$0x1] =	stream.indirect_vreg.gather [hbm4b:s11+s3], $0x80, v3, vm0, $0xb8;
	[tilespmem:$0x10080] =	vst v63  }
0x70: {  	_ =	swait.ge [sflag:s31], $0x10000  }
0x71: {  	p0 =	sne.s32 s4, $0x180;
	[sflag:s31] =	ssyncset.done $0x0  }
.Ltmp0:
0x72: {  	[sflag:s31] =	ssyncadd.s32 $0xFFFF0000;
	(pc) =	sbr.rel @p0 .LBB2_2-.Ltmp0, $4  }
0x73: {  	[hbm4b:s13+s3] =	stream.linear.scatter [tilespmem:s15], [sflag:$0x2], $0x10000, $0x38;
	[tilespmem:$0x10080] =	vst v63  }
0x74: {  	_ =	swait.ge [sflag:s14], $0x10000  }
0x75: {  	[sflag:s14] =	ssyncset.done $0x0  }
0x76: {  	s4 =	sadd.s32 $0x80, s4;
	s13 =	sadd.s32 $0x2000, s13;
	[sflag:s14] =	ssyncadd.s32 $0xFFFF0000  }
0x77: {  	s1 =	rddreg [dreg:$0x17]  }
0x78: {  	s0 =	rddreg [dreg:$0x15];
	s1 =	sadd.s32 $0x1, s1  }
0x79: {  	p0 =	sne.s32 s1, s0  }
.Ltmp1:
0x7a: {  	_ = 	snop;
	(pc) =	sbr.rel @p0 .LBB2_1-.Ltmp1, $1  }
0x7b: {  	_ =	sdelay $0x3  }
0x7c: {  	_ =	sfence.sel $0x180000  }
0x7d: {  	[bflag:$0x0] =	sbarrier.arrive $0xFFFF  }
0x7e: {  	_ =	strace $0x9000004A  }
0x7f: {  	s0 =	stileid.u32;
	[bflag:$0x2] =	sbarrier.arrive $0xFFFF  }
0x80: {  	p0 =	sne.s32 s0, $0x0;
	s0 =	rddreg [dreg:$0x2]  }
0x81: {  	s0 =	sadd.s32 @!p0 $0x100000, s0  }
0x82: {  	[sflag:s0] =	ssyncadd.tile.s32 @!p0 $0x1;
	_ =	shalt  }
.Lfunc_end2:
_tile_overlayer_lowered:
.L_overlay_start_2:
0x83: {  	(tag) =	ssettag $0x2  }
0x84: {  	s0 =	rddreg [dreg:$0x0];
	s2 =	stileid.u32  }
0x85: {  	s1 =	rddreg [dreg:$0x1];
	p0 =	sne.s32 s2, $0x0  }
0x86: {  	s3 =	rddreg [dreg:$0x2];
	[bflag:$0x3] =	sbarrier.arrive $0xFFFF;
	s2 =	simm.s32 @!p0 $0x1C02  }
0x87: {  	[timem:s3], [sflag:s2] =	dma.local @!p0 [hbm:s0], s1  }
0x88: {  	s0 =	simm.s32 @!p0 $0x2  }
0x89: {  	_ =	swait.ge @!p0 [sflag:s0], s1  }
0x8a: {  	s1 =	ssub.s32 @!p0 $0x0, s1;
	[sflag:s0] =	ssyncset.done @!p0 $0x0  }
0x8b: {  	[sflag:s0] =	ssyncadd.s32 @!p0 s1  }
0x8c: {  	[bflag:$0x3] =	sbarrier.arrive $0xFFFF  }
0x8d: {  	_ =	shalt  }

// kernel: kernel.16.cloned.1.call-start
scs
__scs_entry_jumppad:
0x0: {  	(pc) =	sbr.rel $0x88, $3  }
0x1: {  	(tag) =	ssettag $0x0;
	lr =	simm.s32 $0x1  }
0x2: {  	[smem:$0x3F9C] =	sst lr;
	_ =	strace $0xD0000000  }
0x3: {  	_ = 	snop  }
0x4: {  	_ = 	snop  }
0x5: {  	_ = 	snop  }
0x6: {  	_ = 	snop  }
0x7: {  	_ = 	snop  }
__scs_overlays_trampoline_lowered:
0x8: {  	[smem:$0x3FAB] =	sst s0  }
0x9: {  	[smem:$0x3FAC] =	sst s1  }
0xa: {  	[smem:$0x3FAD] =	sst s2  }
0xb: {  	[smem:$0x3FAE] =	sst s3  }
0xc: {  	[smem:$0x3FAF] =	sst s4  }
0xd: {  	[smem:$0x3FB0] =	sst s5  }
0xe: {  	[smem:$0x3FB1] =	sst s6  }
0xf: {  	[smem:$0x3FB2] =	sst s7  }
0x10: {  	[smem:$0x3FB3] =	sst s8  }
0x11: {  	[smem:$0x3FB4] =	sst s9;
	s0 =	simm.s32 @!p0 $0x0  }
0x12: {  	s1 =	sld [smem:$0x3F9A];
	s0 =	simm.s32 @p0 $0x1  }
0x13: {  	[smem:$0x3FB5] =	sst s0;
	s0 =	simm.s32 @!p1 $0x0  }
0x14: {  	s2 =	sld [smem:$0x3F99];
	s0 =	simm.s32 @p1 $0x1  }
0x15: {  	[smem:$0x3FB6] =	sst s0;
	s0 =	simm.s32 @!p2 $0x0  }
0x16: {  	s3 =	sld [smem:$0x3FDB];
	s0 =	simm.s32 @p2 $0x1  }
0x17: {  	s4 =	simm.s32 $0x1BF5;
	[smem:$0x3FB8] =	sst s0  }
0x18: {  	s0 =	sld [smem:$0x3F9B];
	_ =	swait.ge [sflag:s4], $0x0  }
0x19: {  	s7 =	sld [smem:$0x3F9C]  }
0x1a: {  	s8 =	sadd.s32 $0xFFFFE003, lr  }
0x1b: {  	s9 =	sadd.s32 $0xFFFFFEF7, lr;
	s5 =	simm.s32 $0xFFFFFFFF;
	p2 =	slt.u32 s8, $0xFFFFF086  }
0x1c: {  	p1 =	slt.u32 s9, $0xF7A;
	s5 =	simm.s32 @!p2 $0x0  }
0x1d: {  	s5 =	simm.s32 @p1 $0x1;
	p0 =	seq.s32 s7, s2  }
0x1e: {  	s7 =	smul.u32 @!p0 $0xF7A, s2;
	p2 =	seq.s32 @!p0 s5, $0x0  }
0x1f: {  	s9 =	smul.u32 $0xF7A, s1;
	s8 =	simm.s32 @!p0 $0x1BF5;
	p2 =	por !p2, p0  }
0x20: {  	[sflag:s8] =	ssyncset.s32 @!p0 $0xFFFFF086;
	s6 =	sadd.s32 @!p0 s3, s7;
	s7 =	simm.s32 @!p0 $0x108  }
0x21: {  	s3 =	sadd.s32 s3, s9;
	s6 =	sadd.s32 @!p0 $0x88, s6;
	s7 =	simm.s32 @p2 $0x1082  }
0x22: {  	[simem:s7], [sflag:s8] =	dma.local @!p0 [hbm:s6], $0xF7A  }
0x23: {  	s9 =	sor.u32 $0xD0000000, s2;
	s6 =	simm.s32 $0x108;
	_ =	swait.ge @!p0 [sflag:s8], $0x0  }
0x24: {  	s3 =	sadd.s32 $0x88, s3;
	s6 =	simm.s32 @!p1 $0x1082;
	[sflag:s4] =	ssyncset.s32 $0xFFFFF086  }
0x25: {  	[simem:s6], [sflag:s4] =	dma.local [hbm:s3], $0xF7A  }
0x26: {  	[smem:$0x3F9C] =	sst s1;
	(tag) =	ssettag s2;
	_ =	strace s9  }
0x27: {  	s1 =	sld [smem:$0x3FAC]  }
0x28: {  	s2 =	sld [smem:$0x3FAD]  }
0x29: {  	s4 =	sld [smem:$0x3FAF]  }
0x2a: {  	p0 =	seq.s32 s5, $0x0;
	s5 =	sld [smem:$0x3FB0]  }
0x2b: {  	s6 =	sld [smem:$0x3FB1]  }
0x2c: {  	s7 =	sld [smem:$0x3FB2]  }
0x2d: {  	s3 =	simm.s32 $0x108;
	s8 =	sld [smem:$0x3FB3]  }
0x2e: {  	s3 =	simm.s32 @!p0 $0x1082;
	s9 =	sld [smem:$0x3FB4]  }
0x2f: {  	lr =	sadd.s32 s0, s3;
	s0 =	sld [smem:$0x3FAB]  }
0x30: {  	s3 =	sld [smem:$0x3FAE]  }
0x31: {  	[smem:$0x3FB7] =	sst s10  }
0x32: {  	s10 =	sld [smem:$0x3FB5];
	_ =	sdelay $0x3  }
0x33: {  	p0 =	seq.s32 s10, $0x1;
	s10 =	sld [smem:$0x3FB7];
	_ =	sdelay $0x3  }
0x34: {  	[smem:$0x3FB7] =	sst s10  }
0x35: {  	s10 =	sld [smem:$0x3FB6];
	_ =	sdelay $0x3  }
0x36: {  	p1 =	seq.s32 s10, $0x1;
	s10 =	sld [smem:$0x3FB7];
	_ =	sdelay $0x3  }
0x37: {  	[smem:$0x3FB7] =	sst s10  }
0x38: {  	s10 =	sld [smem:$0x3FB8]  }
0x39: {  	_ = 	snop;
	(pc) =	sbr.ind lr, $3  }
0x3a: {  	_ = 	snop  }
0x3b: {  	_ = 	snop  }
0x3c: {  	p2 =	seq.s32 s10, $0x1;
	s10 =	sld [smem:$0x3FB7]  }
0x3d: {  	_ =	shalt  }
0x3e: {  	_ =	shalt  }
0x3f: {  	_ =	shalt  }
0x40: {  	_ =	shalt  }
0x41: {  	_ =	shalt  }
0x42: {  	_ =	shalt  }
0x43: {  	_ =	shalt  }
0x44: {  	_ =	shalt  }
0x45: {  	_ =	shalt  }
0x46: {  	_ =	shalt  }
0x47: {  	_ =	shalt  }
0x48: {  	_ =	shalt  }
0x49: {  	_ =	shalt  }
0x4a: {  	_ =	shalt  }
0x4b: {  	_ =	shalt  }
0x4c: {  	_ =	shalt  }
0x4d: {  	_ =	shalt  }
0x4e: {  	_ =	shalt  }
0x4f: {  	_ =	shalt  }
0x50: {  	_ =	shalt  }
0x51: {  	_ =	shalt  }
0x52: {  	_ =	shalt  }
0x53: {  	_ =	shalt  }
0x54: {  	_ =	shalt  }
0x55: {  	_ =	shalt  }
0x56: {  	_ =	shalt  }
0x57: {  	_ =	shalt  }
0x58: {  	_ =	shalt  }
0x59: {  	_ =	shalt  }
0x5a: {  	_ =	shalt  }
0x5b: {  	_ =	shalt  }
0x5c: {  	_ =	shalt  }
0x5d: {  	_ =	shalt  }
0x5e: {  	_ =	shalt  }
0x5f: {  	_ =	shalt  }
0x60: {  	_ =	shalt  }
0x61: {  	_ =	shalt  }
0x62: {  	_ =	shalt  }
0x63: {  	_ =	shalt  }
0x64: {  	_ =	shalt  }
0x65: {  	_ =	shalt  }
0x66: {  	_ =	shalt  }
0x67: {  	_ =	shalt  }
0x68: {  	_ =	shalt  }
0x69: {  	_ =	shalt  }
0x6a: {  	_ =	shalt  }
0x6b: {  	_ =	shalt  }
0x6c: {  	_ =	shalt  }
0x6d: {  	_ =	shalt  }
0x6e: {  	_ =	shalt  }
0x6f: {  	_ =	shalt  }
0x70: {  	_ =	shalt  }
0x71: {  	_ =	shalt  }
0x72: {  	_ =	shalt  }
0x73: {  	_ =	shalt  }
0x74: {  	_ =	shalt  }
0x75: {  	_ =	shalt  }
0x76: {  	_ =	shalt  }
0x77: {  	_ =	shalt  }
0x78: {  	_ =	shalt  }
0x79: {  	_ =	shalt  }
0x7a: {  	_ =	shalt  }
0x7b: {  	_ =	shalt  }
0x7c: {  	_ =	shalt  }
0x7d: {  	_ =	shalt  }
0x7e: {  	_ =	shalt  }
0x7f: {  	_ =	shalt  }
0x80: {  	_ =	shalt  }
0x81: {  	_ =	shalt  }
0x82: {  	_ =	shalt  }
0x83: {  	_ =	shalt  }
0x84: {  	_ =	shalt  }
0x85: {  	_ =	shalt  }
0x86: {  	_ =	shalt  }
0x87: {  	_ =	shalt  }
.Lfunc_end0:
.L_simem_size_0:
called_computation.2_lowered:
.L_overlay_start_0:
0x88: {  	s2 =	sld [smem:$0x3FD9]  }
0x89: {  	s3 =	sld [smem:$0x3FFE];
	_ =	sdelay $0x1  }
0x8a: {  	s1 =	srdreg.scid  }
0x8b: {  	s0 =	sand.u32 $0x1, s1  }
0x8c: {  	s17 =	sshll.u32 s0, $0xA;
	s2 =	sadd.s32 s3, s2  }
0x8d: {  	s2 =	sadd.s32 s2, s17  }
0x8e: {  	[smem:$0x3FC3] =	sst s2  }
0x8f: {  	_ = 	snop  }
0x90: {  	s18 =	sld [smem:$0x3FC7];
	(tm) =	ssettm $0x1  }
0x91: {  	s19 =	sld [smem:$0x3FFB];
	_ =	sdelay $0x3  }
0x92: {  	_ =	strace s19  }
0x93: {  	s2 =	sld [smem:$0x3FFC];
	_ =	sdelay $0x3  }
0x94: {  	_ =	strace s2  }
0x95: {  	s2 =	sld [smem:$0x3FFD];
	_ =	sdelay $0x3  }
0x96: {  	_ =	strace s2  }
0x97: {  	_ =	strace $0x8FFFFFFF  }
0x98: {  	s20 =	sld [smem:$0x3FDB];
	_ =	sdelay $0x1  }
0x99: {  	s4 =	simm.s32 $_scs_section_size  }
0x9a: {  	s5 =	simm.s32 $_size__tile_overlayer_lowered;
	s6 =	simm.s32 $_tile_overlayer_lowered  }
0x9b: {  	s7 =	simm.s32 $0x1BFF;
	s21 =	sshll.u32 s6, $0x1;
	s4 =	sadd.s32 s4, s20  }
0x9c: {  	s22 =	simm.s32 $0x0;
	s5 =	sshll.u32 s5, $0x1;
	s6 =	sadd.s32 s21, s4  }
0x9d: {  	[timem:s22], [sflag:s7] =	dma.local [hbm:s6], s5  }
0x9e: {  	_ =	swait.ge [sflag:s7], s5  }
0x9f: {  	s5 =	ssub.s32 $0x0, s5;
	[sflag:s7] =	ssyncset.done $0x0  }
0xa0: {  	[sflag:s7] =	ssyncadd.s32 s5;
	_ =	sdelay $0x1  }
0xa1: {  	s23 =	simm.s32 $0x1B8B  }
0xa2: {  	_ =	swait.ge [sflag:s23], $0x1  }
0xa3: {  	[sflag:s23] =	ssyncset.done $0x0  }
0xa4: {  	[sflag:s23] =	ssyncadd.s32 $0xFFFFFFFF  }
0xa5: {  	s5 =	sld [smem:$0x0]  }
0xa6: {  	s6 =	sand.u32 $0xFFFFFFFE, s1  }
0xa7: {  	p0 =	sne.s32 s1, s6  }
0xa8: {  	s6 =	sshll.u32 @p0 s6, $0xE  }
0xa9: {  	s6 =	sadd.s32 @p0 $0x11B8D, s6;
	s7 =	sshll.u32 @p0 s5, $0x11  }
0xaa: {  	s6 =	sor.u32 @p0 s7, s6  }
0xab: {  	[sflag:s6] =	ssyncadd.remote.s32 @p0 $0x1;
	_ =	sdelay $0x1  }
0xac: {  	s6 =	simm.s32 @p0 $0x1B8D  }
0xad: {  	_ =	swait.eq @p0 [sflag:s6], $0x1  }
0xae: {  	[sflag:s6] =	ssyncadd.s32 @p0 $0xFFFFFFFF  }
0xaf: {  	s7 =	sshll.u32 @!p0 s1, $0xE  }
0xb0: {  	s7 =	sor.u32 @!p0 $0x4000, s7;
	s6 =	simm.s32 @!p0 $0x1B8D  }
0xb1: {  	s5 =	sshll.u32 @!p0 s5, $0x11;
	s7 =	sadd.s32 @!p0 $0x11B8D, s7;
	_ =	swait.eq @!p0 [sflag:s6], $0x1  }
0xb2: {  	s5 =	sor.u32 @!p0 s5, s7;
	[sflag:s6] =	ssyncadd.s32 @!p0 $0xFFFFFFFF  }
0xb3: {  	s25 =	simm.s32 $0x1B8E;
	s24 =	sld [smem:$0x3FFE];
	[sflag:s5] =	ssyncadd.remote.s32 @!p0 $0x1  }
0xb4: {  	s26 =	simm.s32 $execute0_lowered;
	[smem:$0x3FD2] =	sst s25  }
0xb5: {  	s6 =	sshll.u32 s26, $0x1;
	_ =	strace $0x8000004C;
	[dreg:$0x1] =	wrdreg $0xFFFFFFFF  }
0xb6: {  	s28 =	simm.s32 $_size_execute0_lowered;
	s4 =	sadd.s32 s4, s6;
	[dreg:$0x0] =	wrdreg $0x0  }
0xb7: {  	s6 =	sshll.u32 s28, $0x1;
	[dreg:$0x2] =	wrdreg s4  }
0xb8: {  	[dreg:$0x3] =	wrdreg s6  }
0xb9: {  	[dreg:$0x4] =	wrdreg $0xC0  }
0xba: {  	_ =	task [dreg:s22], $0x5FFFF  }
0xbb: {  	[dreg:$0x1] =	wrdreg $0xFFFFFFFF  }
0xbc: {  	[dreg:$0x0] =	wrdreg $0x60  }
0xbd: {  	[dreg:$0x2] =	wrdreg s18  }
0xbe: {  	[dreg:$0x3] =	wrdreg s24  }
0xbf: {  	[dreg:$0x4] =	wrdreg $0xB  }
0xc0: {  	_ =	task.clear_ibuf [dreg:s22], $0x5FFFF;
	_ =	strace $0x9000004C  }
0xc1: {  	s29 =	simm.s32 $0xB;
	_ =	strace $0x8000004E  }
0xc2: {  	_ =	swait.ge [sflag:s29], $0x1  }
0xc3: {  	[sflag:s29] =	ssyncadd.s32 $0xFFFFFFFF  }
0xc4: {  	_ =	strace $0x9000004E  }
0xc5: {  	_ =	sfence  }
0xc6: {  	s30 =	sld [smem:$0x0];
	_ =	sdelay $0x2  }
0xc7: {  	s31 =	sshll.u32 s1, $0xD;
	s1 =	sshrl.u32 s1, $0x2  }
0xc8: {  	s4 =	sand.u32 $0x4000, s31;
	s1 =	sadd.s32 s1, s30  }
0xc9: {  	s0 =	sor.u32 s4, s0;
	s1 =	sshll.u32 s1, $0x11  }
0xca: {  	s0 =	sor.u32 s1, s0  }
0xcb: {  	s0 =	sadd.s32 $0x8F2B, s0  }
0xcc: {  	[sflag:s0] =	ssyncadd.remote.s32 $0x1  }
0xcd: {  	_ =	sfence.sel $0xFFFF  }
0xce: {  	[dreg:$0x0] =	wrdreg $0xFFFFFFFF;
	(pc) =	sbr.abs _section_cstart, $3  }
0xcf: {  	[dreg:$0x1] =	wrdreg $0xFFFFFFFF  }
0xd0: {  	_ =	task.clear_ibuf [dreg:s22], $0x2FFFF;
	_ =	strace $0x9FFFFFFF  }
0xd1: {  	(tm) =	ssettm $0x7FFFFFFF  }
tec
execute0_lowered:
.L_overlay_start_1:
0x0: {  	(tag) =	ssettag $0x1  }
0x1: {  	s2 =	rddreg [dreg:$0x0]  }
0x2: {  	s0 =	rddreg [dreg:$0x1];
	s1 =	srdreg.scid;
	s3 =	simm.s32 $0x0  }
0x3: {  	s6 =	stileid.u32;
	s8 =	simm.s32 $0x880;
	[smem:$0x7FF] =	sst s3  }
0x4: {  	s10 =	simm.s32 $0x1080;
	_ =	strace $0x8000004D;
	[dreg:$0x3] =	wrdreg s8  }
0x5: {  	s11 =	simm.s32 $0x1880;
	s13 =	simm.s32 $0x2080;
	[dreg:$0x4] =	wrdreg s10  }
0x6: {  	s14 =	simm.s32 $0x2880;
	s15 =	simm.s32 $0x3080;
	[dreg:$0x5] =	wrdreg s11  }
0x7: {  	s16 =	simm.s32 $0x3880;
	s17 =	simm.s32 $0x4080;
	[dreg:$0x6] =	wrdreg s13  }
0x8: {  	s18 =	simm.s32 $0x4880;
	s19 =	simm.s32 $0x5080;
	[dreg:$0x7] =	wrdreg s14  }
0x9: {  	s20 =	simm.s32 $0x5880;
	s21 =	simm.s32 $0x6080;
	[dreg:$0x8] =	wrdreg s15  }
0xa: {  	s22 =	simm.s32 $0x6880;
	s23 =	simm.s32 $0x7080;
	[dreg:$0x9] =	wrdreg s16  }
0xb: {  	s24 =	simm.s32 $0x7880;
	s25 =	simm.s32 $0x8080;
	[dreg:$0xa] =	wrdreg s17  }
0xc: {  	s26 =	simm.s32 $0x8880;
	s28 =	simm.s32 $0xE880;
	[dreg:$0xb] =	wrdreg s18  }
0xd: {  	s29 =	simm.s32 $0xF080;
	s30 =	simm.s32 $0xF880;
	[dreg:$0xc] =	wrdreg s19  }
0xe: {  	s31 =	simm.s32 $0x1;
	s1 =	sand.u32 $0x1, s1;
	[dreg:$0xd] =	wrdreg s20  }
0xf: {  	s4 =	sshll.u32 s6, $0x8;
	s7 =	sshll.u32 s6, $0x10;
	[dreg:$0xe] =	wrdreg s21  }
0x10: {  	s6 =	sadd.s32 $0x200, s2;
	s5 =	sshll.u32 s1, $0x7;
	[dreg:$0xf] =	wrdreg s22  }
0x11: {  	s9 =	ssub.s32 $0x2, s1;
	s8 =	sadd.s32 $0x400, s2;
	[dreg:$0x10] =	wrdreg s23  }
0x12: {  	s10 =	sadd.s32 $0x600, s2;
	s11 =	sadd.s32 $0x700, s2;
	[dreg:$0x11] =	wrdreg s24  }
0x13: {  	s1 =	sshll.u32 s1, $0xF;
	s14 =	simm.s32 $0x2;
	[dreg:$0x12] =	wrdreg s25  }
0x14: {  	s15 =	simm.s32 $0x80;
	[dreg:$0x13] =	wrdreg s26;
	s16 =	simm.s32 $0x9080  }
0x15: {  	s17 =	simm.s32 $0x9880;
	s18 =	simm.s32 $0xA080;
	s19 =	simm.s32 $0xA880  }
0x16: {  	s20 =	simm.s32 $0xB080;
	s21 =	simm.s32 $0xB880;
	s22 =	simm.s32 $0xC080  }
0x17: {  	s23 =	simm.s32 $0xC880;
	s24 =	simm.s32 $0xD080;
	s4 =	sor.u32 s5, s4  }
0x18: {  	s25 =	simm.s32 $0xD880;
	s26 =	simm.s32 $0xE080;
	s4 =	sshrl.u32 s4, $0x3  }
0x19: {  	s4 =	sadd.s32 s4, s0;
	s0 =	sadd.s32 s7, s0;
	s7 =	sshrl.u32 s9, $0x1  }
0x1a: {  	s5 =	sadd.s32 $0x100, s2;
	s12 =	ssub.s32 s9, s7;
	s4 =	sadd.s32 $0x101E00, s4  }
0x1b: {  	v2 =	vlaneseq.u32;
	s0 =	sadd.s32 s1, s0;
	[dreg:$0x14] =	wrdreg s4;
	s12 =	smax.u32 s12, $0x1  }
0x1c: {  	vm0 =	vmmov $0xffff;
	v1 =	vshrl.u32 v2, $0x3;
	s7 =	sadd.s32 $0x300, s2;
	s0 =	sadd.s32 $0x202200, s0;
	[dreg:$0x15] =	wrdreg s12  }
0x1d: {  	v0 =	vand.u32 $0x7, v2;
	v2 =	vor.u32 $0x8, v2;
	v1 =	vmul.u32 $0x8, v1;
	s9 =	sadd.s32 $0x500, s2;
	s1 =	simm.s32 $0x0;
	[dreg:$0x16] =	wrdreg s0  }
.LBB2_1:
0x1e: {  	[dreg:$0x17] =	wrdreg s1  }
0x1f: {  	s0 =	rddreg [dreg:$0x14]  }
0x20: {  	[tilespmem:s3], [sflag:$0x2] =	stream.linear.gather [hbm4b:s0+s3], $0x80, $0x38;
	[tilespmem:$0x10080] =	vst v63  }
0x21: {  	_ =	swait.ge [sflag:s14], $0x80  }
0x22: {  	[sflag:s14] =	ssyncset.done $0x0  }
0x23: {  	s4 =	simm.s32 $0x0;
	s13 =	rddreg [dreg:$0x16];
	[sflag:s14] =	ssyncadd.s32 $0xFFFFFF80  }
.LBB2_2:
0x24: {  	s12 =	sshra.s32 s4, $0x2  }
0x25: {  	v3 =	vld [tilespmem:s12+$0x0];
	_ =	sdelay $0x4  }
0x26: {  	v4 =	vshll.u32 v3, $0x4  }
0x27: {  	v3 =	vand.u32 $0x7, v3;
	v4 =	vand.u32 $0xFFFFFF80, v4  }
0x28: {  	v3 =	vor.u32 v3, v4  }
0x29: {  	v4 =	vperm.xlane v3, v0;
	_ =	sdelay $0x1  }
0x2a: {  	v4 =	vadd.s32 v1, v4;
	_ =	sdelay $0x4  }
0x2b: {  	[tilespmem:s15], [sflag:$0x1] =	stream.indirect_vreg.gather [hbm4b:s2+s3], $0x80, v4, vm0, $0xb8;
	[tilespmem:$0x10080] =	vst v63  }
0x2c: {  	s1 =	rddreg [dreg:$0x3]  }
0x2d: {  	[tilespmem:s1], [sflag:$0x1] =	stream.indirect_vreg.gather [hbm4b:s5+s3], $0x80, v4, vm0, $0xb8;
	[tilespmem:$0x10080] =	vst v63  }
0x2e: {  	s0 =	rddreg [dreg:$0x4]  }
0x2f: {  	[tilespmem:s0], [sflag:$0x1] =	stream.indirect_vreg.gather [hbm4b:s6+s3], $0x80, v4, vm0, $0xb8;
	[tilespmem:$0x10080] =	vst v63  }
0x30: {  	s1 =	rddreg [dreg:$0x5]  }
0x31: {  	[tilespmem:s1], [sflag:$0x1] =	stream.indirect_vreg.gather [hbm4b:s7+s3], $0x80, v4, vm0, $0xb8;
	[tilespmem:$0x10080] =	vst v63  }
0x32: {  	s0 =	rddreg [dreg:$0x6]  }
0x33: {  	[tilespmem:s0], [sflag:$0x1] =	stream.indirect_vreg.gather [hbm4b:s8+s3], $0x80, v4, vm0, $0xb8;
	[tilespmem:$0x10080] =	vst v63  }
0x34: {  	v3 =	vperm.xlane v3, v2;
	s1 =	rddreg [dreg:$0x7]  }
0x35: {  	[tilespmem:s1], [sflag:$0x1] =	stream.indirect_vreg.gather [hbm4b:s9+s3], $0x80, v4, vm0, $0xb8;
	[tilespmem:$0x10080] =	vst v63  }
0x36: {  	v3 =	vadd.s32 v1, v3;
	s0 =	rddreg [dreg:$0x8]  }
0x37: {  	[tilespmem:s0], [sflag:$0x1] =	stream.indirect_vreg.gather [hbm4b:s10+s3], $0x80, v4, vm0, $0xb8;
	[tilespmem:$0x10080] =	vst v63  }
0x38: {  	s1 =	rddreg [dreg:$0x9]  }
0x39: {  	[tilespmem:s1], [sflag:$0x1] =	stream.indirect_vreg.gather [hbm4b:s11+s3], $0x80, v4, vm0, $0xb8;
	[tilespmem:$0x10080] =	vst v63  }
0x3a: {  	s0 =	rddreg [dreg:$0xa]  }
0x3b: {  	[tilespmem:s0], [sflag:$0x1] =	stream.indirect_vreg.gather [hbm4b:s2+s3], $0x80, v3, vm0, $0xb8;
	[tilespmem:$0x10080] =	vst v63  }
0x3c: {  	s1 =	rddreg [dreg:$0xb]  }
0x3d: {  	[tilespmem:s1], [sflag:$0x1] =	stream.indirect_vreg.gather [hbm4b:s5+s3], $0x80, v3, vm0, $0xb8;
	[tilespmem:$0x10080] =	vst v63  }
0x3e: {  	s0 =	rddreg [dreg:$0xc]  }
0x3f: {  	[tilespmem:s0], [sflag:$0x1] =	stream.indirect_vreg.gather [hbm4b:s6+s3], $0x80, v3, vm0, $0xb8;
	[tilespmem:$0x10080] =	vst v63  }
0x40: {  	s1 =	rddreg [dreg:$0xd]  }
0x41: {  	[tilespmem:s1], [sflag:$0x1] =	stream.indirect_vreg.gather [hbm4b:s7+s3], $0x80, v3, vm0, $0xb8;
	[tilespmem:$0x10080] =	vst v63  }
0x42: {  	s0 =	rddreg [dreg:$0xe]  }
0x43: {  	[tilespmem:s0], [sflag:$0x1] =	stream.indirect_vreg.gather [hbm4b:s8+s3], $0x80, v3, vm0, $0xb8;
	[tilespmem:$0x10080] =	vst v63  }
0x44: {  	s1 =	rddreg [dreg:$0xf]  }
0x45: {  	[tilespmem:s1], [sflag:$0x1] =	stream.indirect_vreg.gather [hbm4b:s9+s3], $0x80, v3, vm0, $0xb8;
	[tilespmem:$0x10080] =	vst v63  }
0x46: {  	s0 =	rddreg [dreg:$0x10]  }
0x47: {  	[tilespmem:s0], [sflag:$0x1] =	stream.indirect_vreg.gather [hbm4b:s10+s3], $0x80, v3, vm0, $0xb8;
	[tilespmem:$0x10080] =	vst v63  }
0x48: {  	s1 =	rddreg [dreg:$0x11]  }
0x49: {  	[tilespmem:s1], [sflag:$0x1] =	stream.indirect_vreg.gather [hbm4b:s11+s3], $0x80, v3, vm0, $0xb8;
	[tilespmem:$0x10080] =	vst v63  }
0x4a: {  	v3 =	vld [tilespmem:s12+$0x10];
	_ =	sdelay $0x4  }
0x4b: {  	v63 =	vshll.u32 v3, $0x4  }
0x4c: {  	v3 =	vand.u32 $0x7, v3;
	v4 =	vand.u32 $0xFFFFFF80, v63  }
0x4d: {  	v3 =	vor.u32 v3, v4  }
0x4e: {  	v4 =	vperm.xlane v3, v0;
	_ =	sdelay $0x1  }
0x4f: {  	v4 =	vadd.s32 v1, v4;
	_ =	sdelay $0x3  }
0x50: {  	s1 =	rddreg [dreg:$0x12]  }
0x51: {  	[tilespmem:s1], [sflag:$0x1] =	stream.indirect_vreg.gather [hbm4b:s2+s3], $0x80, v4, vm0, $0xb8;
	[tilespmem:$0x10080] =	vst v63  }
0x52: {  	s12 =	rddreg [dreg:$0x13]  }
0x53: {  	[tilespmem:s12], [sflag:$0x1] =	stream.indirect_vreg.gather [hbm4b:s5+s3], $0x80, v4, vm0, $0xb8;
	[tilespmem:$0x10080] =	vst v63  }
0x54: {  	_ = 	snop  }
0x55: {  	[tilespmem:s16], [sflag:$0x1] =	stream.indirect_vreg.gather [hbm4b:s6+s3], $0x80, v4, vm0, $0xb8;
	[tilespmem:$0x10080] =	vst v63  }
0x56: {  	_ = 	snop  }
0x57: {  	[tilespmem:s17], [sflag:$0x1] =	stream.indirect_vreg.gather [hbm4b:s7+s3], $0x80, v4, vm0, $0xb8;
	[tilespmem:$0x10080] =	vst v63  }
0x58: {  	_ = 	snop  }
0x59: {  	[tilespmem:s18], [sflag:$0x1] =	stream.indirect_vreg.gather [hbm4b:s8+s3], $0x80, v4, vm0, $0xb8;
	[tilespmem:$0x10080] =	vst v63  }
0x5a: {  	v3 =	vperm.xlane v3, v2  }
0x5b: {  	[tilespmem:s19], [sflag:$0x1] =	stream.indirect_vreg.gather [hbm4b:s9+s3], $0x80, v4, vm0, $0xb8;
	[tilespmem:$0x10080] =	vst v63  }
0x5c: {  	v3 =	vadd.s32 v1, v3  }
0x5d: {  	[tilespmem:s20], [sflag:$0x1] =	stream.indirect_vreg.gather [hbm4b:s10+s3], $0x80, v4, vm0, $0xb8;
	[tilespmem:$0x10080] =	vst v63  }
0x5e: {  	_ = 	snop  }
0x5f: {  	[tilespmem:s21], [sflag:$0x1] =	stream.indirect_vreg.gather [hbm4b:s11+s3], $0x80, v4, vm0, $0xb8;
	[tilespmem:$0x10080] =	vst v63  }
0x60: {  	_ = 	snop  }
0x61: {  	[tilespmem:s22], [sflag:$0x1] =	stream.indirect_vreg.gather [hbm4b:s2+s3], $0x80, v3, vm0, $0xb8;
	[tilespmem:$0x10080] =	vst v63  }
0x62: {  	_ = 	snop  }
0x63: {  	[tilespmem:s23], [sflag:$0x1] =	stream.indirect_vreg.gather [hbm4b:s5+s3], $0x80, v3, vm0, $0xb8;
	[tilespmem:$0x10080] =	vst v63  }
0x64: {  	_ = 	snop  }
0x65: {  	[tilespmem:s24], [sflag:$0x1] =	stream.indirect_vreg.gather [hbm4b:s6+s3], $0x80, v3, vm0, $0xb8;
	[tilespmem:$0x10080] =	vst v63  }
0x66: {  	_ = 	snop  }
0x67: {  	[tilespmem:s25], [sflag:$0x1] =	stream.indirect_vreg.gather [hbm4b:s7+s3], $0x80, v3, vm0, $0xb8;
	[tilespmem:$0x10080] =	vst v63  }
0x68: {  	_ = 	snop  }
0x69: {  	[tilespmem:s26], [sflag:$0x1] =	stream.indirect_vreg.gather [hbm4b:s8+s3], $0x80, v3, vm0, $0xb8;
	[tilespmem:$0x10080] =	vst v63  }
0x6a: {  	_ = 	snop  }
0x6b: {  	[tilespmem:s28], [sflag:$0x1] =	stream.indirect_vreg.gather [hbm4b:s9+s3], $0x80, v3, vm0, $0xb8;
	[tilespmem:$0x10080] =	vst v63  }
0x6c: {  	_ = 	snop  }
0x6d: {  	[tilespmem:s29], [sflag:$0x1] =	stream.indirect_vreg.gather [hbm4b:s10+s3], $0x80, v3, vm0, $0xb8;
	[tilespmem:$0x10080] =	vst v63  }
0x6e: {  	_ = 	snop  }
0x6f: {  	[tilespmem:s30], [sflag:$0x1] =	stream.indirect_vreg.gather [hbm4b:s11+s3], $0x80, v3, vm0, $0xb8;
	[tilespmem:$0x10080] =	vst v63  }
0x70: {  	_ =	swait.ge [sflag:s31], $0x10000  }
0x71: {  	p0 =	sne.s32 s4, $0x180;
	[sflag:s31] =	ssyncset.done $0x0  }
.Ltmp0:
0x72: {  	[sflag:s31] =	ssyncadd.s32 $0xFFFF0000;
	(pc) =	sbr.rel @p0 .LBB2_2-.Ltmp0, $4  }
0x73: {  	[hbm4b:s13+s3] =	stream.linear.scatter [tilespmem:s15], [sflag:$0x2], $0x10000, $0x38;
	[tilespmem:$0x10080] =	vst v63  }
0x74: {  	_ =	swait.ge [sflag:s14], $0x10000  }
0x75: {  	[sflag:s14] =	ssyncset.done $0x0  }
0x76: {  	s4 =	sadd.s32 $0x80, s4;
	s13 =	sadd.s32 $0x2000, s13;
	[sflag:s14] =	ssyncadd.s32 $0xFFFF0000  }
0x77: {  	s1 =	rddreg [dreg:$0x17]  }
0x78: {  	s0 =	rddreg [dreg:$0x15];
	s1 =	sadd.s32 $0x1, s1  }
0x79: {  	p0 =	sne.s32 s1, s0  }
.Ltmp1:
0x7a: {  	_ = 	snop;
	(pc) =	sbr.rel @p0 .LBB2_1-.Ltmp1, $1  }
0x7b: {  	_ =	sdelay $0x3  }
0x7c: {  	_ =	sfence.sel $0x180000  }
0x7d: {  	[bflag:$0x0] =	sbarrier.arrive $0xFFFF  }
0x7e: {  	_ =	strace $0x9000004D  }
0x7f: {  	s0 =	stileid.u32;
	[bflag:$0x2] =	sbarrier.arrive $0xFFFF  }
0x80: {  	p0 =	sne.s32 s0, $0x0;
	s0 =	rddreg [dreg:$0x2]  }
0x81: {  	s0 =	sadd.s32 @!p0 $0x100000, s0  }
0x82: {  	[sflag:s0] =	ssyncadd.tile.s32 @!p0 $0x1;
	_ =	shalt  }
.Lfunc_end2:
_tile_overlayer_lowered:
.L_overlay_start_2:
0x83: {  	(tag) =	ssettag $0x2  }
0x84: {  	s0 =	rddreg [dreg:$0x0];
	s2 =	stileid.u32  }
0x85: {  	s1 =	rddreg [dreg:$0x1];
	p0 =	sne.s32 s2, $0x0  }
0x86: {  	s3 =	rddreg [dreg:$0x2];
	[bflag:$0x3] =	sbarrier.arrive $0xFFFF;
	s2 =	simm.s32 @!p0 $0x1C02  }
0x87: {  	[timem:s3], [sflag:s2] =	dma.local @!p0 [hbm:s0], s1  }
0x88: {  	s0 =	simm.s32 @!p0 $0x2  }
0x89: {  	_ =	swait.ge @!p0 [sflag:s0], s1  }
0x8a: {  	s1 =	ssub.s32 @!p0 $0x0, s1;
	[sflag:s0] =	ssyncset.done @!p0 $0x0  }
0x8b: {  	[sflag:s0] =	ssyncadd.s32 @!p0 s1  }
0x8c: {  	[bflag:$0x3] =	sbarrier.arrive $0xFFFF  }
0x8d: {  	_ =	shalt  }

// kernel: kernel.19.cloned.1.call-start
scs
__scs_entry_jumppad:
0x0: {  	(pc) =	sbr.rel $0x88, $3  }
0x1: {  	(tag) =	ssettag $0x0;
	lr =	simm.s32 $0x1  }
0x2: {  	[smem:$0x3F9C] =	sst lr;
	_ =	strace $0xD0000000  }
0x3: {  	_ = 	snop  }
0x4: {  	_ = 	snop  }
0x5: {  	_ = 	snop  }
0x6: {  	_ = 	snop  }
0x7: {  	_ = 	snop  }
__scs_overlays_trampoline_lowered:
0x8: {  	[smem:$0x3FAB] =	sst s0  }
0x9: {  	[smem:$0x3FAC] =	sst s1  }
0xa: {  	[smem:$0x3FAD] =	sst s2  }
0xb: {  	[smem:$0x3FAE] =	sst s3  }
0xc: {  	[smem:$0x3FAF] =	sst s4  }
0xd: {  	[smem:$0x3FB0] =	sst s5  }
0xe: {  	[smem:$0x3FB1] =	sst s6  }
0xf: {  	[smem:$0x3FB2] =	sst s7  }
0x10: {  	[smem:$0x3FB3] =	sst s8  }
0x11: {  	[smem:$0x3FB4] =	sst s9;
	s0 =	simm.s32 @!p0 $0x0  }
0x12: {  	s1 =	sld [smem:$0x3F9A];
	s0 =	simm.s32 @p0 $0x1  }
0x13: {  	[smem:$0x3FB5] =	sst s0;
	s0 =	simm.s32 @!p1 $0x0  }
0x14: {  	s2 =	sld [smem:$0x3F99];
	s0 =	simm.s32 @p1 $0x1  }
0x15: {  	[smem:$0x3FB6] =	sst s0;
	s0 =	simm.s32 @!p2 $0x0  }
0x16: {  	s3 =	sld [smem:$0x3FDB];
	s0 =	simm.s32 @p2 $0x1  }
0x17: {  	s4 =	simm.s32 $0x1BF5;
	[smem:$0x3FB8] =	sst s0  }
0x18: {  	s0 =	sld [smem:$0x3F9B];
	_ =	swait.ge [sflag:s4], $0x0  }
0x19: {  	s7 =	sld [smem:$0x3F9C]  }
0x1a: {  	s8 =	sadd.s32 $0xFFFFE003, lr  }
0x1b: {  	s9 =	sadd.s32 $0xFFFFFEF7, lr;
	s5 =	simm.s32 $0xFFFFFFFF;
	p2 =	slt.u32 s8, $0xFFFFF086  }
0x1c: {  	p1 =	slt.u32 s9, $0xF7A;
	s5 =	simm.s32 @!p2 $0x0  }
0x1d: {  	s5 =	simm.s32 @p1 $0x1;
	p0 =	seq.s32 s7, s2  }
0x1e: {  	s7 =	smul.u32 @!p0 $0xF7A, s2;
	p2 =	seq.s32 @!p0 s5, $0x0  }
0x1f: {  	s9 =	smul.u32 $0xF7A, s1;
	s8 =	simm.s32 @!p0 $0x1BF5;
	p2 =	por !p2, p0  }
0x20: {  	[sflag:s8] =	ssyncset.s32 @!p0 $0xFFFFF086;
	s6 =	sadd.s32 @!p0 s3, s7;
	s7 =	simm.s32 @!p0 $0x108  }
0x21: {  	s3 =	sadd.s32 s3, s9;
	s6 =	sadd.s32 @!p0 $0x88, s6;
	s7 =	simm.s32 @p2 $0x1082  }
0x22: {  	[simem:s7], [sflag:s8] =	dma.local @!p0 [hbm:s6], $0xF7A  }
0x23: {  	s9 =	sor.u32 $0xD0000000, s2;
	s6 =	simm.s32 $0x108;
	_ =	swait.ge @!p0 [sflag:s8], $0x0  }
0x24: {  	s3 =	sadd.s32 $0x88, s3;
	s6 =	simm.s32 @!p1 $0x1082;
	[sflag:s4] =	ssyncset.s32 $0xFFFFF086  }
0x25: {  	[simem:s6], [sflag:s4] =	dma.local [hbm:s3], $0xF7A  }
0x26: {  	[smem:$0x3F9C] =	sst s1;
	(tag) =	ssettag s2;
	_ =	strace s9  }
0x27: {  	s1 =	sld [smem:$0x3FAC]  }
0x28: {  	s2 =	sld [smem:$0x3FAD]  }
0x29: {  	s4 =	sld [smem:$0x3FAF]  }
0x2a: {  	p0 =	seq.s32 s5, $0x0;
	s5 =	sld [smem:$0x3FB0]  }
0x2b: {  	s6 =	sld [smem:$0x3FB1]  }
0x2c: {  	s7 =	sld [smem:$0x3FB2]  }
0x2d: {  	s3 =	simm.s32 $0x108;
	s8 =	sld [smem:$0x3FB3]  }
0x2e: {  	s3 =	simm.s32 @!p0 $0x1082;
	s9 =	sld [smem:$0x3FB4]  }
0x2f: {  	lr =	sadd.s32 s0, s3;
	s0 =	sld [smem:$0x3FAB]  }
0x30: {  	s3 =	sld [smem:$0x3FAE]  }
0x31: {  	[smem:$0x3FB7] =	sst s10  }
0x32: {  	s10 =	sld [smem:$0x3FB5];
	_ =	sdelay $0x3  }
0x33: {  	p0 =	seq.s32 s10, $0x1;
	s10 =	sld [smem:$0x3FB7];
	_ =	sdelay $0x3  }
0x34: {  	[smem:$0x3FB7] =	sst s10  }
0x35: {  	s10 =	sld [smem:$0x3FB6];
	_ =	sdelay $0x3  }
0x36: {  	p1 =	seq.s32 s10, $0x1;
	s10 =	sld [smem:$0x3FB7];
	_ =	sdelay $0x3  }
0x37: {  	[smem:$0x3FB7] =	sst s10  }
0x38: {  	s10 =	sld [smem:$0x3FB8]  }
0x39: {  	_ = 	snop;
	(pc) =	sbr.ind lr, $3  }
0x3a: {  	_ = 	snop  }
0x3b: {  	_ = 	snop  }
0x3c: {  	p2 =	seq.s32 s10, $0x1;
	s10 =	sld [smem:$0x3FB7]  }
0x3d: {  	_ =	shalt  }
0x3e: {  	_ =	shalt  }
0x3f: {  	_ =	shalt  }
0x40: {  	_ =	shalt  }
0x41: {  	_ =	shalt  }
0x42: {  	_ =	shalt  }
0x43: {  	_ =	shalt  }
0x44: {  	_ =	shalt  }
0x45: {  	_ =	shalt  }
0x46: {  	_ =	shalt  }
0x47: {  	_ =	shalt  }
0x48: {  	_ =	shalt  }
0x49: {  	_ =	shalt  }
0x4a: {  	_ =	shalt  }
0x4b: {  	_ =	shalt  }
0x4c: {  	_ =	shalt  }
0x4d: {  	_ =	shalt  }
0x4e: {  	_ =	shalt  }
0x4f: {  	_ =	shalt  }
0x50: {  	_ =	shalt  }
0x51: {  	_ =	shalt  }
0x52: {  	_ =	shalt  }
0x53: {  	_ =	shalt  }
0x54: {  	_ =	shalt  }
0x55: {  	_ =	shalt  }
0x56: {  	_ =	shalt  }
0x57: {  	_ =	shalt  }
0x58: {  	_ =	shalt  }
0x59: {  	_ =	shalt  }
0x5a: {  	_ =	shalt  }
0x5b: {  	_ =	shalt  }
0x5c: {  	_ =	shalt  }
0x5d: {  	_ =	shalt  }
0x5e: {  	_ =	shalt  }
0x5f: {  	_ =	shalt  }
0x60: {  	_ =	shalt  }
0x61: {  	_ =	shalt  }
0x62: {  	_ =	shalt  }
0x63: {  	_ =	shalt  }
0x64: {  	_ =	shalt  }
0x65: {  	_ =	shalt  }
0x66: {  	_ =	shalt  }
0x67: {  	_ =	shalt  }
0x68: {  	_ =	shalt  }
0x69: {  	_ =	shalt  }
0x6a: {  	_ =	shalt  }
0x6b: {  	_ =	shalt  }
0x6c: {  	_ =	shalt  }
0x6d: {  	_ =	shalt  }
0x6e: {  	_ =	shalt  }
0x6f: {  	_ =	shalt  }
0x70: {  	_ =	shalt  }
0x71: {  	_ =	shalt  }
0x72: {  	_ =	shalt  }
0x73: {  	_ =	shalt  }
0x74: {  	_ =	shalt  }
0x75: {  	_ =	shalt  }
0x76: {  	_ =	shalt  }
0x77: {  	_ =	shalt  }
0x78: {  	_ =	shalt  }
0x79: {  	_ =	shalt  }
0x7a: {  	_ =	shalt  }
0x7b: {  	_ =	shalt  }
0x7c: {  	_ =	shalt  }
0x7d: {  	_ =	shalt  }
0x7e: {  	_ =	shalt  }
0x7f: {  	_ =	shalt  }
0x80: {  	_ =	shalt  }
0x81: {  	_ =	shalt  }
0x82: {  	_ =	shalt  }
0x83: {  	_ =	shalt  }
0x84: {  	_ =	shalt  }
0x85: {  	_ =	shalt  }
0x86: {  	_ =	shalt  }
0x87: {  	_ =	shalt  }
.Lfunc_end0:
.L_simem_size_0:
called_computation.3_lowered:
.L_overlay_start_0:
0x88: {  	s2 =	sld [smem:$0x3FD9]  }
0x89: {  	s3 =	sld [smem:$0x3FFE];
	_ =	sdelay $0x1  }
0x8a: {  	s1 =	srdreg.scid  }
0x8b: {  	s0 =	sand.u32 $0x1, s1  }
0x8c: {  	s17 =	sshll.u32 s0, $0xA;
	s2 =	sadd.s32 s3, s2  }
0x8d: {  	s2 =	sadd.s32 s2, s17  }
0x8e: {  	[smem:$0x3FC3] =	sst s2  }
0x8f: {  	_ = 	snop  }
0x90: {  	s18 =	sld [smem:$0x3FC7];
	(tm) =	ssettm $0x1  }
0x91: {  	s19 =	sld [smem:$0x3FFB];
	_ =	sdelay $0x3  }
0x92: {  	_ =	strace s19  }
0x93: {  	s2 =	sld [smem:$0x3FFC];
	_ =	sdelay $0x3  }
0x94: {  	_ =	strace s2  }
0x95: {  	s2 =	sld [smem:$0x3FFD];
	_ =	sdelay $0x3  }
0x96: {  	_ =	strace s2  }
0x97: {  	_ =	strace $0x8FFFFFFF  }
0x98: {  	s20 =	sld [smem:$0x3FDB];
	_ =	sdelay $0x1  }
0x99: {  	s4 =	simm.s32 $_scs_section_size  }
0x9a: {  	s5 =	simm.s32 $_size__tile_overlayer_lowered;
	s6 =	simm.s32 $_tile_overlayer_lowered  }
0x9b: {  	s7 =	simm.s32 $0x1BFF;
	s21 =	sshll.u32 s6, $0x1;
	s4 =	sadd.s32 s4, s20  }
0x9c: {  	s22 =	simm.s32 $0x0;
	s5 =	sshll.u32 s5, $0x1;
	s6 =	sadd.s32 s21, s4  }
0x9d: {  	[timem:s22], [sflag:s7] =	dma.local [hbm:s6], s5  }
0x9e: {  	_ =	swait.ge [sflag:s7], s5  }
0x9f: {  	s5 =	ssub.s32 $0x0, s5;
	[sflag:s7] =	ssyncset.done $0x0  }
0xa0: {  	[sflag:s7] =	ssyncadd.s32 s5;
	_ =	sdelay $0x1  }
0xa1: {  	s23 =	simm.s32 $0x1B8B  }
0xa2: {  	_ =	swait.ge [sflag:s23], $0x1  }
0xa3: {  	[sflag:s23] =	ssyncset.done $0x0  }
0xa4: {  	[sflag:s23] =	ssyncadd.s32 $0xFFFFFFFF  }
0xa5: {  	s5 =	sld [smem:$0x0]  }
0xa6: {  	s6 =	sand.u32 $0xFFFFFFFE, s1  }
0xa7: {  	p0 =	sne.s32 s1, s6  }
0xa8: {  	s6 =	sshll.u32 @p0 s6, $0xE  }
0xa9: {  	s6 =	sadd.s32 @p0 $0x11B8D, s6;
	s7 =	sshll.u32 @p0 s5, $0x11  }
0xaa: {  	s6 =	sor.u32 @p0 s7, s6  }
0xab: {  	[sflag:s6] =	ssyncadd.remote.s32 @p0 $0x1;
	_ =	sdelay $0x1  }
0xac: {  	s6 =	simm.s32 @p0 $0x1B8D  }
0xad: {  	_ =	swait.eq @p0 [sflag:s6], $0x1  }
0xae: {  	[sflag:s6] =	ssyncadd.s32 @p0 $0xFFFFFFFF  }
0xaf: {  	s7 =	sshll.u32 @!p0 s1, $0xE  }
0xb0: {  	s7 =	sor.u32 @!p0 $0x4000, s7;
	s6 =	simm.s32 @!p0 $0x1B8D  }
0xb1: {  	s5 =	sshll.u32 @!p0 s5, $0x11;
	s7 =	sadd.s32 @!p0 $0x11B8D, s7;
	_ =	swait.eq @!p0 [sflag:s6], $0x1  }
0xb2: {  	s5 =	sor.u32 @!p0 s5, s7;
	[sflag:s6] =	ssyncadd.s32 @!p0 $0xFFFFFFFF  }
0xb3: {  	s25 =	simm.s32 $0x1B8E;
	s24 =	sld [smem:$0x3FFE];
	[sflag:s5] =	ssyncadd.remote.s32 @!p0 $0x1  }
0xb4: {  	s26 =	simm.s32 $execute0_lowered;
	[smem:$0x3FD2] =	sst s25  }
0xb5: {  	s6 =	sshll.u32 s26, $0x1;
	_ =	strace $0x8000004F;
	[dreg:$0x1] =	wrdreg $0xFFFFFFFF  }
0xb6: {  	s28 =	simm.s32 $_size_execute0_lowered;
	s4 =	sadd.s32 s4, s6;
	[dreg:$0x0] =	wrdreg $0x0  }
0xb7: {  	s6 =	sshll.u32 s28, $0x1;
	[dreg:$0x2] =	wrdreg s4  }
0xb8: {  	[dreg:$0x3] =	wrdreg s6  }
0xb9: {  	[dreg:$0x4] =	wrdreg $0xC0  }
0xba: {  	_ =	task [dreg:s22], $0x5FFFF  }
0xbb: {  	[dreg:$0x1] =	wrdreg $0xFFFFFFFF  }
0xbc: {  	[dreg:$0x0] =	wrdreg $0x60  }
0xbd: {  	[dreg:$0x2] =	wrdreg s18  }
0xbe: {  	[dreg:$0x3] =	wrdreg s24  }
0xbf: {  	[dreg:$0x4] =	wrdreg $0xC  }
0xc0: {  	_ =	task.clear_ibuf [dreg:s22], $0x5FFFF;
	_ =	strace $0x9000004F  }
0xc1: {  	s29 =	simm.s32 $0xC;
	_ =	strace $0x80000051  }
0xc2: {  	_ =	swait.ge [sflag:s29], $0x1  }
0xc3: {  	[sflag:s29] =	ssyncadd.s32 $0xFFFFFFFF  }
0xc4: {  	_ =	strace $0x90000051  }
0xc5: {  	_ =	sfence  }
0xc6: {  	s30 =	sld [smem:$0x0];
	_ =	sdelay $0x2  }
0xc7: {  	s31 =	sshll.u32 s1, $0xD;
	s1 =	sshrl.u32 s1, $0x2  }
0xc8: {  	s4 =	sand.u32 $0x4000, s31;
	s1 =	sadd.s32 s1, s30  }
0xc9: {  	s0 =	sor.u32 s4, s0;
	s1 =	sshll.u32 s1, $0x11  }
0xca: {  	s0 =	sor.u32 s1, s0  }
0xcb: {  	s0 =	sadd.s32 $0x8F2B, s0  }
0xcc: {  	[sflag:s0] =	ssyncadd.remote.s32 $0x1  }
0xcd: {  	_ =	sfence.sel $0xFFFF  }
0xce: {  	[dreg:$0x0] =	wrdreg $0xFFFFFFFF;
	(pc) =	sbr.abs _section_cstart, $3  }
0xcf: {  	[dreg:$0x1] =	wrdreg $0xFFFFFFFF  }
0xd0: {  	_ =	task.clear_ibuf [dreg:s22], $0x2FFFF;
	_ =	strace $0x9FFFFFFF  }
0xd1: {  	(tm) =	ssettm $0x7FFFFFFF  }
tec
execute0_lowered:
.L_overlay_start_1:
0x0: {  	(tag) =	ssettag $0x1  }
0x1: {  	s2 =	rddreg [dreg:$0x0]  }
0x2: {  	s0 =	rddreg [dreg:$0x1];
	s1 =	srdreg.scid;
	s3 =	simm.s32 $0x0  }
0x3: {  	s6 =	stileid.u32;
	s8 =	simm.s32 $0x880;
	[smem:$0x7FF] =	sst s3  }
0x4: {  	s10 =	simm.s32 $0x1080;
	_ =	strace $0x80000050;
	[dreg:$0x3] =	wrdreg s8  }
0x5: {  	s11 =	simm.s32 $0x1880;
	s13 =	simm.s32 $0x2080;
	[dreg:$0x4] =	wrdreg s10  }
0x6: {  	s14 =	simm.s32 $0x2880;
	s15 =	simm.s32 $0x3080;
	[dreg:$0x5] =	wrdreg s11  }
0x7: {  	s16 =	simm.s32 $0x3880;
	s17 =	simm.s32 $0x4080;
	[dreg:$0x6] =	wrdreg s13  }
0x8: {  	s18 =	simm.s32 $0x4880;
	s19 =	simm.s32 $0x5080;
	[dreg:$0x7] =	wrdreg s14  }
0x9: {  	s20 =	simm.s32 $0x5880;
	s21 =	simm.s32 $0x6080;
	[dreg:$0x8] =	wrdreg s15  }
0xa: {  	s22 =	simm.s32 $0x6880;
	s23 =	simm.s32 $0x7080;
	[dreg:$0x9] =	wrdreg s16  }
0xb: {  	s24 =	simm.s32 $0x7880;
	s25 =	simm.s32 $0x8080;
	[dreg:$0xa] =	wrdreg s17  }
0xc: {  	s26 =	simm.s32 $0x8880;
	s28 =	simm.s32 $0xE880;
	[dreg:$0xb] =	wrdreg s18  }
0xd: {  	s29 =	simm.s32 $0xF080;
	s30 =	simm.s32 $0xF880;
	[dreg:$0xc] =	wrdreg s19  }
0xe: {  	s31 =	simm.s32 $0x1;
	s1 =	sand.u32 $0x1, s1;
	[dreg:$0xd] =	wrdreg s20  }
0xf: {  	s4 =	sshll.u32 s6, $0x8;
	s7 =	sshll.u32 s6, $0x10;
	[dreg:$0xe] =	wrdreg s21  }
0x10: {  	s6 =	sadd.s32 $0x200, s2;
	s5 =	sshll.u32 s1, $0x7;
	[dreg:$0xf] =	wrdreg s22  }
0x11: {  	s9 =	ssub.s32 $0x2, s1;
	s8 =	sadd.s32 $0x400, s2;
	[dreg:$0x10] =	wrdreg s23  }
0x12: {  	s10 =	sadd.s32 $0x600, s2;
	s11 =	sadd.s32 $0x700, s2;
	[dreg:$0x11] =	wrdreg s24  }
0x13: {  	s1 =	sshll.u32 s1, $0xF;
	s14 =	simm.s32 $0x2;
	[dreg:$0x12] =	wrdreg s25  }
0x14: {  	s15 =	simm.s32 $0x80;
	[dreg:$0x13] =	wrdreg s26;
	s16 =	simm.s32 $0x9080  }
0x15: {  	s17 =	simm.s32 $0x9880;
	s18 =	simm.s32 $0xA080;
	s19 =	simm.s32 $0xA880  }
0x16: {  	s20 =	simm.s32 $0xB080;
	s21 =	simm.s32 $0xB880;
	s22 =	simm.s32 $0xC080  }
0x17: {  	s23 =	simm.s32 $0xC880;
	s24 =	simm.s32 $0xD080;
	s4 =	sor.u32 s5, s4  }
0x18: {  	s25 =	simm.s32 $0xD880;
	s26 =	simm.s32 $0xE080;
	s4 =	sshrl.u32 s4, $0x3  }
0x19: {  	s4 =	sadd.s32 s4, s0;
	s0 =	sadd.s32 s7, s0;
	s7 =	sshrl.u32 s9, $0x1  }
0x1a: {  	s5 =	sadd.s32 $0x100, s2;
	s12 =	ssub.s32 s9, s7;
	s4 =	sadd.s32 $0x102000, s4  }
0x1b: {  	v2 =	vlaneseq.u32;
	s0 =	sadd.s32 s1, s0;
	[dreg:$0x14] =	wrdreg s4;
	s12 =	smax.u32 s12, $0x1  }
0x1c: {  	vm0 =	vmmov $0xffff;
	v1 =	vshrl.u32 v2, $0x3;
	s7 =	sadd.s32 $0x300, s2;
	s0 =	sadd.s32 $0x302200, s0;
	[dreg:$0x15] =	wrdreg s12  }
0x1d: {  	v0 =	vand.u32 $0x7, v2;
	v2 =	vor.u32 $0x8, v2;
	v1 =	vmul.u32 $0x8, v1;
	s9 =	sadd.s32 $0x500, s2;
	s1 =	simm.s32 $0x0;
	[dreg:$0x16] =	wrdreg s0  }
.LBB2_1:
0x1e: {  	[dreg:$0x17] =	wrdreg s1  }
0x1f: {  	s0 =	rddreg [dreg:$0x14]  }
0x20: {  	[tilespmem:s3], [sflag:$0x2] =	stream.linear.gather [hbm4b:s0+s3], $0x80, $0x38;
	[tilespmem:$0x10080] =	vst v63  }
0x21: {  	_ =	swait.ge [sflag:s14], $0x80  }
0x22: {  	[sflag:s14] =	ssyncset.done $0x0  }
0x23: {  	s4 =	simm.s32 $0x0;
	s13 =	rddreg [dreg:$0x16];
	[sflag:s14] =	ssyncadd.s32 $0xFFFFFF80  }
.LBB2_2:
0x24: {  	s12 =	sshra.s32 s4, $0x2  }
0x25: {  	v3 =	vld [tilespmem:s12+$0x0];
	_ =	sdelay $0x4  }
0x26: {  	v4 =	vshll.u32 v3, $0x4  }
0x27: {  	v3 =	vand.u32 $0x7, v3;
	v4 =	vand.u32 $0xFFFFFF80, v4  }
0x28: {  	v3 =	vor.u32 v3, v4  }
0x29: {  	v4 =	vperm.xlane v3, v0;
	_ =	sdelay $0x1  }
0x2a: {  	v4 =	vadd.s32 v1, v4;
	_ =	sdelay $0x4  }
0x2b: {  	[tilespmem:s15], [sflag:$0x1] =	stream.indirect_vreg.gather [hbm4b:s2+s3], $0x80, v4, vm0, $0xb8;
	[tilespmem:$0x10080] =	vst v63  }
0x2c: {  	s1 =	rddreg [dreg:$0x3]  }
0x2d: {  	[tilespmem:s1], [sflag:$0x1] =	stream.indirect_vreg.gather [hbm4b:s5+s3], $0x80, v4, vm0, $0xb8;
	[tilespmem:$0x10080] =	vst v63  }
0x2e: {  	s0 =	rddreg [dreg:$0x4]  }
0x2f: {  	[tilespmem:s0], [sflag:$0x1] =	stream.indirect_vreg.gather [hbm4b:s6+s3], $0x80, v4, vm0, $0xb8;
	[tilespmem:$0x10080] =	vst v63  }
0x30: {  	s1 =	rddreg [dreg:$0x5]  }
0x31: {  	[tilespmem:s1], [sflag:$0x1] =	stream.indirect_vreg.gather [hbm4b:s7+s3], $0x80, v4, vm0, $0xb8;
	[tilespmem:$0x10080] =	vst v63  }
0x32: {  	s0 =	rddreg [dreg:$0x6]  }
0x33: {  	[tilespmem:s0], [sflag:$0x1] =	stream.indirect_vreg.gather [hbm4b:s8+s3], $0x80, v4, vm0, $0xb8;
	[tilespmem:$0x10080] =	vst v63  }
0x34: {  	v3 =	vperm.xlane v3, v2;
	s1 =	rddreg [dreg:$0x7]  }
0x35: {  	[tilespmem:s1], [sflag:$0x1] =	stream.indirect_vreg.gather [hbm4b:s9+s3], $0x80, v4, vm0, $0xb8;
	[tilespmem:$0x10080] =	vst v63  }
0x36: {  	v3 =	vadd.s32 v1, v3;
	s0 =	rddreg [dreg:$0x8]  }
0x37: {  	[tilespmem:s0], [sflag:$0x1] =	stream.indirect_vreg.gather [hbm4b:s10+s3], $0x80, v4, vm0, $0xb8;
	[tilespmem:$0x10080] =	vst v63  }
0x38: {  	s1 =	rddreg [dreg:$0x9]  }
0x39: {  	[tilespmem:s1], [sflag:$0x1] =	stream.indirect_vreg.gather [hbm4b:s11+s3], $0x80, v4, vm0, $0xb8;
	[tilespmem:$0x10080] =	vst v63  }
0x3a: {  	s0 =	rddreg [dreg:$0xa]  }
0x3b: {  	[tilespmem:s0], [sflag:$0x1] =	stream.indirect_vreg.gather [hbm4b:s2+s3], $0x80, v3, vm0, $0xb8;
	[tilespmem:$0x10080] =	vst v63  }
0x3c: {  	s1 =	rddreg [dreg:$0xb]  }
0x3d: {  	[tilespmem:s1], [sflag:$0x1] =	stream.indirect_vreg.gather [hbm4b:s5+s3], $0x80, v3, vm0, $0xb8;
	[tilespmem:$0x10080] =	vst v63  }
0x3e: {  	s0 =	rddreg [dreg:$0xc]  }
0x3f: {  	[tilespmem:s0], [sflag:$0x1] =	stream.indirect_vreg.gather [hbm4b:s6+s3], $0x80, v3, vm0, $0xb8;
	[tilespmem:$0x10080] =	vst v63  }
0x40: {  	s1 =	rddreg [dreg:$0xd]  }
0x41: {  	[tilespmem:s1], [sflag:$0x1] =	stream.indirect_vreg.gather [hbm4b:s7+s3], $0x80, v3, vm0, $0xb8;
	[tilespmem:$0x10080] =	vst v63  }
0x42: {  	s0 =	rddreg [dreg:$0xe]  }
0x43: {  	[tilespmem:s0], [sflag:$0x1] =	stream.indirect_vreg.gather [hbm4b:s8+s3], $0x80, v3, vm0, $0xb8;
	[tilespmem:$0x10080] =	vst v63  }
0x44: {  	s1 =	rddreg [dreg:$0xf]  }
0x45: {  	[tilespmem:s1], [sflag:$0x1] =	stream.indirect_vreg.gather [hbm4b:s9+s3], $0x80, v3, vm0, $0xb8;
	[tilespmem:$0x10080] =	vst v63  }
0x46: {  	s0 =	rddreg [dreg:$0x10]  }
0x47: {  	[tilespmem:s0], [sflag:$0x1] =	stream.indirect_vreg.gather [hbm4b:s10+s3], $0x80, v3, vm0, $0xb8;
	[tilespmem:$0x10080] =	vst v63  }
0x48: {  	s1 =	rddreg [dreg:$0x11]  }
0x49: {  	[tilespmem:s1], [sflag:$0x1] =	stream.indirect_vreg.gather [hbm4b:s11+s3], $0x80, v3, vm0, $0xb8;
	[tilespmem:$0x10080] =	vst v63  }
0x4a: {  	v3 =	vld [tilespmem:s12+$0x10];
	_ =	sdelay $0x4  }
0x4b: {  	v63 =	vshll.u32 v3, $0x4  }
0x4c: {  	v3 =	vand.u32 $0x7, v3;
	v4 =	vand.u32 $0xFFFFFF80, v63  }
0x4d: {  	v3 =	vor.u32 v3, v4  }
0x4e: {  	v4 =	vperm.xlane v3, v0;
	_ =	sdelay $0x1  }
0x4f: {  	v4 =	vadd.s32 v1, v4;
	_ =	sdelay $0x3  }
0x50: {  	s1 =	rddreg [dreg:$0x12]  }
0x51: {  	[tilespmem:s1], [sflag:$0x1] =	stream.indirect_vreg.gather [hbm4b:s2+s3], $0x80, v4, vm0, $0xb8;
	[tilespmem:$0x10080] =	vst v63  }
0x52: {  	s12 =	rddreg [dreg:$0x13]  }
0x53: {  	[tilespmem:s12], [sflag:$0x1] =	stream.indirect_vreg.gather [hbm4b:s5+s3], $0x80, v4, vm0, $0xb8;
	[tilespmem:$0x10080] =	vst v63  }
0x54: {  	_ = 	snop  }
0x55: {  	[tilespmem:s16], [sflag:$0x1] =	stream.indirect_vreg.gather [hbm4b:s6+s3], $0x80, v4, vm0, $0xb8;
	[tilespmem:$0x10080] =	vst v63  }
0x56: {  	_ = 	snop  }
0x57: {  	[tilespmem:s17], [sflag:$0x1] =	stream.indirect_vreg.gather [hbm4b:s7+s3], $0x80, v4, vm0, $0xb8;
	[tilespmem:$0x10080] =	vst v63  }
0x58: {  	_ = 	snop  }
0x59: {  	[tilespmem:s18], [sflag:$0x1] =	stream.indirect_vreg.gather [hbm4b:s8+s3], $0x80, v4, vm0, $0xb8;
	[tilespmem:$0x10080] =	vst v63  }
0x5a: {  	v3 =	vperm.xlane v3, v2  }
0x5b: {  	[tilespmem:s19], [sflag:$0x1] =	stream.indirect_vreg.gather [hbm4b:s9+s3], $0x80, v4, vm0, $0xb8;
	[tilespmem:$0x10080] =	vst v63  }
0x5c: {  	v3 =	vadd.s32 v1, v3  }
0x5d: {  	[tilespmem:s20], [sflag:$0x1] =	stream.indirect_vreg.gather [hbm4b:s10+s3], $0x80, v4, vm0, $0xb8;
	[tilespmem:$0x10080] =	vst v63  }
0x5e: {  	_ = 	snop  }
0x5f: {  	[tilespmem:s21], [sflag:$0x1] =	stream.indirect_vreg.gather [hbm4b:s11+s3], $0x80, v4, vm0, $0xb8;
	[tilespmem:$0x10080] =	vst v63  }
0x60: {  	_ = 	snop  }
0x61: {  	[tilespmem:s22], [sflag:$0x1] =	stream.indirect_vreg.gather [hbm4b:s2+s3], $0x80, v3, vm0, $0xb8;
	[tilespmem:$0x10080] =	vst v63  }
0x62: {  	_ = 	snop  }
0x63: {  	[tilespmem:s23], [sflag:$0x1] =	stream.indirect_vreg.gather [hbm4b:s5+s3], $0x80, v3, vm0, $0xb8;
	[tilespmem:$0x10080] =	vst v63  }
0x64: {  	_ = 	snop  }
0x65: {  	[tilespmem:s24], [sflag:$0x1] =	stream.indirect_vreg.gather [hbm4b:s6+s3], $0x80, v3, vm0, $0xb8;
	[tilespmem:$0x10080] =	vst v63  }
0x66: {  	_ = 	snop  }
0x67: {  	[tilespmem:s25], [sflag:$0x1] =	stream.indirect_vreg.gather [hbm4b:s7+s3], $0x80, v3, vm0, $0xb8;
	[tilespmem:$0x10080] =	vst v63  }
0x68: {  	_ = 	snop  }
0x69: {  	[tilespmem:s26], [sflag:$0x1] =	stream.indirect_vreg.gather [hbm4b:s8+s3], $0x80, v3, vm0, $0xb8;
	[tilespmem:$0x10080] =	vst v63  }
0x6a: {  	_ = 	snop  }
0x6b: {  	[tilespmem:s28], [sflag:$0x1] =	stream.indirect_vreg.gather [hbm4b:s9+s3], $0x80, v3, vm0, $0xb8;
	[tilespmem:$0x10080] =	vst v63  }
0x6c: {  	_ = 	snop  }
0x6d: {  	[tilespmem:s29], [sflag:$0x1] =	stream.indirect_vreg.gather [hbm4b:s10+s3], $0x80, v3, vm0, $0xb8;
	[tilespmem:$0x10080] =	vst v63  }
0x6e: {  	_ = 	snop  }
0x6f: {  	[tilespmem:s30], [sflag:$0x1] =	stream.indirect_vreg.gather [hbm4b:s11+s3], $0x80, v3, vm0, $0xb8;
	[tilespmem:$0x10080] =	vst v63  }
0x70: {  	_ =	swait.ge [sflag:s31], $0x10000  }
0x71: {  	p0 =	sne.s32 s4, $0x180;
	[sflag:s31] =	ssyncset.done $0x0  }
.Ltmp0:
0x72: {  	[sflag:s31] =	ssyncadd.s32 $0xFFFF0000;
	(pc) =	sbr.rel @p0 .LBB2_2-.Ltmp0, $4  }
0x73: {  	[hbm4b:s13+s3] =	stream.linear.scatter [tilespmem:s15], [sflag:$0x2], $0x10000, $0x38;
	[tilespmem:$0x10080] =	vst v63  }
0x74: {  	_ =	swait.ge [sflag:s14], $0x10000  }
0x75: {  	[sflag:s14] =	ssyncset.done $0x0  }
0x76: {  	s4 =	sadd.s32 $0x80, s4;
	s13 =	sadd.s32 $0x2000, s13;
	[sflag:s14] =	ssyncadd.s32 $0xFFFF0000  }
0x77: {  	s1 =	rddreg [dreg:$0x17]  }
0x78: {  	s0 =	rddreg [dreg:$0x15];
	s1 =	sadd.s32 $0x1, s1  }
0x79: {  	p0 =	sne.s32 s1, s0  }
.Ltmp1:
0x7a: {  	_ = 	snop;
	(pc) =	sbr.rel @p0 .LBB2_1-.Ltmp1, $1  }
0x7b: {  	_ =	sdelay $0x3  }
0x7c: {  	_ =	sfence.sel $0x180000  }
0x7d: {  	[bflag:$0x0] =	sbarrier.arrive $0xFFFF  }
0x7e: {  	_ =	strace $0x90000050  }
0x7f: {  	s0 =	stileid.u32;
	[bflag:$0x2] =	sbarrier.arrive $0xFFFF  }
0x80: {  	p0 =	sne.s32 s0, $0x0;
	s0 =	rddreg [dreg:$0x2]  }
0x81: {  	s0 =	sadd.s32 @!p0 $0x100000, s0  }
0x82: {  	[sflag:s0] =	ssyncadd.tile.s32 @!p0 $0x1;
	_ =	shalt  }
.Lfunc_end2:
_tile_overlayer_lowered:
.L_overlay_start_2:
0x83: {  	(tag) =	ssettag $0x2  }
0x84: {  	s0 =	rddreg [dreg:$0x0];
	s2 =	stileid.u32  }
0x85: {  	s1 =	rddreg [dreg:$0x1];
	p0 =	sne.s32 s2, $0x0  }
0x86: {  	s3 =	rddreg [dreg:$0x2];
	[bflag:$0x3] =	sbarrier.arrive $0xFFFF;
	s2 =	simm.s32 @!p0 $0x1C02  }
0x87: {  	[timem:s3], [sflag:s2] =	dma.local @!p0 [hbm:s0], s1  }
0x88: {  	s0 =	simm.s32 @!p0 $0x2  }
0x89: {  	_ =	swait.ge @!p0 [sflag:s0], s1  }
0x8a: {  	s1 =	ssub.s32 @!p0 $0x0, s1;
	[sflag:s0] =	ssyncset.done @!p0 $0x0  }
0x8b: {  	[sflag:s0] =	ssyncadd.s32 @!p0 s1  }
0x8c: {  	[bflag:$0x3] =	sbarrier.arrive $0xFFFF  }
0x8d: {  	_ =	shalt  }

</sc_bundles>
